<compile_context>
chip_gen: v7x
topology: tpu7x:2x2x1
jax: 0.10.2.dev20260603
libtpu: 0.0.44.dev20260713+nightly
codegen_flags: <defaults>
</compile_context>

<pallas_src>
import functools

import jax
import jax.numpy as jnp
from jax import lax
from jax.experimental import pallas as pl
from jax.experimental.pallas import tpu as pltpu
from jax.experimental.pallas import tpu_sc as plsc

N = 10000
E = 160000
D = 256
K = 30
KP = 32
TW = 128
BN = 1000
NBLK = N // BN
W = 640
NWIN = E // W
NEG = -1e30


def _s_body(x_ref, wp_ref, b_ref, s_ref):
    logits = jnp.dot(x_ref[...], wp_ref[...],
                     preferred_element_type=jnp.float32) + b_ref[0:1, :]
    m = jnp.max(logits, axis=-1, keepdims=True)
    e = jnp.exp(logits - m)
    s_ref[...] = e / jnp.sum(e, axis=-1, keepdims=True)


def _stats_body(s_ref, x_ref, c_ref, ss_ref):
    i = pl.program_id(0)
    s = s_ref[...][:, :KP]
    ci = lax.broadcasted_iota(jnp.int32, (BN, KP), 1)
    s_aug = jnp.where(ci == KP - 1, 1.0, s)
    c_part = lax.dot_general(s, x_ref[...], (((0,), (0,)), ((), ())),
                             preferred_element_type=jnp.float32)
    ss_part = lax.dot_general(s, s_aug, (((0,), (0,)), ((), ())),
                              preferred_element_type=jnp.float32)

    @pl.when(i == 0)
    def _():
        c_ref[...] = c_part
        ss_ref[...] = ss_part

    @pl.when(i != 0)
    def _():
        c_ref[...] += c_part
        ss_ref[...] += ss_part


def _final_body(s_ref, a0_ref, ss_ref, c_ref, pw_ref, pb_ref,
                adj_ref, z_ref, scal_ref):
    i = pl.program_id(0)
    s = s_ref[...][:, :KP]
    adj_s = a0_ref[0][:, :KP]
    ci = lax.broadcasted_iota(jnp.int32, (BN, KP), 1)
    rs_s = jnp.sum(s, axis=1, keepdims=True)
    rs_a = jnp.sum(adj_s, axis=1, keepdims=True)
    s_aug = jnp.where(ci == KP - 1, rs_s, s)
    a_aug = jnp.where(ci == KP - 1, rs_a, adj_s)
    part = lax.dot_general(s_aug, a_aug, (((0,), (0,)), ((), ())),
                           preferred_element_type=jnp.float32)

    @pl.when(i == 0)
    def _():
        adj_ref[...] = part

    @pl.when(i != 0)
    def _():
        adj_ref[...] += part

    @pl.when(i == NBLK - 1)
    def _():
        r32 = lax.broadcasted_iota(jnp.int32, (KP, KP), 0)
        c32 = lax.broadcasted_iota(jnp.int32, (KP, KP), 1)
        adjn = adj_ref[...]
        cut = jnp.sum(jnp.where((r32 == c32) & (r32 < K), adjn, 0.0))
        vol = jnp.sum(jnp.where((r32 == KP - 1) & (c32 == KP - 1), adjn, 0.0))
        mincut = -cut / (vol + 1e-9)
        ss = ss_ref[...]
        eye = jnp.where((r32 == c32) & (r32 < K), 1.0, 0.0)
        diff = jnp.where((r32 < K) & (c32 < K), ss - eye, 0.0)
        ortho = jnp.sqrt(jnp.sum(diff * diff))
        colsum = ss[:, KP - 1:KP]
        z = jnp.dot(c_ref[...], pw_ref[...],
                    preferred_element_type=jnp.float32)
        z_ref[...] = z + colsum * pb_ref[0:1, :]
        r8 = lax.broadcasted_iota(jnp.int32, (8, 128), 0)
        c8 = lax.broadcasted_iota(jnp.int32, (8, 128), 1)
        scal_ref[...] = jnp.where((r8 == 0) & (c8 == 0), mincut,
                                  jnp.where((r8 == 0) & (c8 == 1), ortho, 0.0))


def _compute_s(x, wa_pad, ba8):
    return pl.pallas_call(
        _s_body,
        grid=(NBLK,),
        in_specs=[
            pl.BlockSpec((BN, D), lambda i: (i, 0)),
            pl.BlockSpec((D, TW), lambda i: (0, 0)),
            pl.BlockSpec((8, TW), lambda i: (0, 0)),
        ],
        out_specs=pl.BlockSpec((BN, TW), lambda i: (i, 0)),
        out_shape=jax.ShapeDtypeStruct((N, TW), jnp.float32),
    )(x, wa_pad, ba8)


def _compute_stats(s128, x):
    return pl.pallas_call(
        _stats_body,
        grid=(NBLK,),
        in_specs=[
            pl.BlockSpec((BN, TW), lambda i: (i, 0)),
            pl.BlockSpec((BN, D), lambda i: (i, 0)),
        ],
        out_specs=[
            pl.BlockSpec((KP, D), lambda i: (0, 0)),
            pl.BlockSpec((KP, KP), lambda i: (0, 0)),
        ],
        out_shape=[
            jax.ShapeDtypeStruct((KP, D), jnp.float32),
            jax.ShapeDtypeStruct((KP, KP), jnp.float32),
        ],
    )(s128, x)


NH = N // 2
ACC = NH + 8


def _sc_segsum(s128, idx2, zeros):
    mesh = plsc.VectorSubcoreMesh(core_axis_name="c", subcore_axis_name="s")

    @functools.partial(
        pl.kernel,
        out_type=jax.ShapeDtypeStruct((2, NH, TW), jnp.float32),
        mesh=mesh,
        scratch_types=[
            pltpu.VMEM((W,), jnp.int32),
            pltpu.VMEM((W,), jnp.int32),
            pltpu.VMEM((W,), jnp.int32),
            pltpu.VMEM((W,), jnp.int32),
            pltpu.VMEM((W, TW), jnp.float32),
            pltpu.VMEM_SHARED((ACC, TW), jnp.float32),
            pltpu.SemaphoreType.DMA,
            pltpu.SemaphoreType.DMA,
            pltpu.SemaphoreType.DMA,
            pltpu.SemaphoreType.DMA,
        ],
    )
    def k(t_hbm, i_hbm, z_hbm, out_hbm,
          idxr0, idxr1, idxc0, idxc1, buf_v, acc, ir0, ir1, ic0, ic1):
        idxr = (idxr0, idxr1)
        idxc = (idxc0, idxc1)
        ir = (ir0, ir1)
        ic = (ic0, ic1)
        c = lax.axis_index("c")
        s = lax.axis_index("s")

        def rsl(g):
            return i_hbm.at[pl.ds(c * E + g * W, W)]

        def csl(g):
            return i_hbm.at[pl.ds(2 * E + g * W, W)]

        for u in (0, 1):
            pltpu.async_copy(rsl(u * 16 + s), idxr[u], ir[u])
            pltpu.async_copy(csl(u * 16 + s), idxc[u], ic[u])

        @pl.when(s < 15)
        def _():
            pltpu.sync_copy(z_hbm, acc.at[pl.ds(s * 320, 320)])

        @pl.when(s == 15)
        def _():
            pltpu.sync_copy(z_hbm.at[pl.ds(0, 208)],
                            acc.at[pl.ds(4800, 208)])

        plsc.subcore_barrier()

        @pl.loop(0, 8)
        def _(t):
            for u in (0, 1):
                g = (2 * t + u) * 16 + s

                @pl.when(g < NWIN)
                def _():
                    pltpu.make_async_copy(rsl(g), idxr[u], ir[u]).wait()
                    pltpu.make_async_copy(csl(g), idxc[u], ic[u]).wait()
                    pltpu.sync_copy(t_hbm.at[idxc[u]], buf_v)
                    pltpu.sync_copy(buf_v, acc.at[idxr[u]], add=True)

                    @pl.when(g + 32 < NWIN)
                    def _():
                        pltpu.async_copy(rsl(g + 32), idxr[u], ir[u])
                        pltpu.async_copy(csl(g + 32), idxc[u], ic[u])

        plsc.subcore_barrier()

        @pl.when(s < 15)
        def _():
            pltpu.sync_copy(acc.at[pl.ds(s * 320, 320)],
                            out_hbm.at[c, pl.ds(s * 320, 320)])

        @pl.when(s == 15)
        def _():
            pltpu.sync_copy(acc.at[pl.ds(4800, 200)],
                            out_hbm.at[c, pl.ds(4800, 200)])

    return k(s128, idx2, zeros)


def _compute_final(s128, adj2, ss, c, proj_W, pb8):
    return pl.pallas_call(
        _final_body,
        grid=(NBLK,),
        in_specs=[
            pl.BlockSpec((BN, TW), lambda i: (i, 0)),
            pl.BlockSpec((1, BN, TW), lambda i: (i // 5, i % 5, 0)),
            pl.BlockSpec((KP, KP), lambda i: (0, 0)),
            pl.BlockSpec((KP, D), lambda i: (0, 0)),
            pl.BlockSpec((D, D), lambda i: (0, 0)),
            pl.BlockSpec((8, D), lambda i: (0, 0)),
        ],
        out_specs=[
            pl.BlockSpec((KP, KP), lambda i: (0, 0)),
            pl.BlockSpec((KP, D), lambda i: (0, 0)),
            pl.BlockSpec((8, 128), lambda i: (0, 0)),
        ],
        out_shape=[
            jax.ShapeDtypeStruct((KP, KP), jnp.float32),
            jax.ShapeDtypeStruct((KP, D), jnp.float32),
            jax.ShapeDtypeStruct((8, 128), jnp.float32),
        ],
    )(s128, adj2, ss, c, proj_W, pb8)


def kernel(x, edge_index, assign_W, assign_b, proj_W, proj_b):
    wa_pad = jnp.pad(assign_W, ((0, 0), (0, TW - K)))
    ba_pad = jnp.pad(assign_b, (0, TW - K), constant_values=NEG)
    ba8 = jnp.broadcast_to(ba_pad[None, :], (8, TW))
    pb8 = jnp.broadcast_to(proj_b[None, :], (8, D))
    ei = edge_index.reshape(2 * E)
    row = ei[:E]
    col = ei[E:]
    dump = NH + (jnp.arange(E, dtype=jnp.int32) & 7)
    r0 = jnp.where(row < NH, row, dump)
    r1 = row - NH
    r1 = jnp.where((r1 < 0) | (r1 >= NH), dump, r1)
    idx2 = jnp.concatenate([r0, r1, col])
    zeros = jnp.zeros((320, TW), jnp.float32)

    s128 = _compute_s(x, wa_pad, ba8)
    adj2 = _sc_segsum(s128, idx2, zeros)
    c, ss = _compute_stats(s128, x)
    adj, z, scal = _compute_final(s128, adj2, ss, c, proj_W, pb8)

    S = s128[:, :K]
    Z = z[:K, :]
    adj_new = adj[None, :K, :K]
    mincut_loss = scal[0, 0]
    ortho_loss = scal[0, 1]
    return (Z, adj_new, mincut_loss, ortho_loss, S)

# --- scband reference (transcript-rebuilt; emitter-appended) ---
"""Pipeline reference for scband-min-cut-pool-layer-sparse-12300786336170 (READ-ONLY COPY).

The authoritative reference and input builder live on the scoring server;
editing this copy changes nothing except your own understanding.
"""

import jax, jax.numpy as jnp
import numpy as np

N = 10000
E = 160000
D = 256
K = 30

def setup_inputs(seed: int = 0) -> dict:
    key = jax.random.key(seed)
    ks = jax.random.split(key, 5)
    x = jax.random.normal(ks[0], (N, D), dtype=jnp.float32)
    edge_index = jax.random.randint(ks[1], (2, E), 0, N, dtype=jnp.int32)
    assign_W = jax.random.normal(ks[2], (D, K), dtype=jnp.float32) * (1.0 / np.sqrt(D))
    assign_b = jnp.zeros((K,), dtype=jnp.float32)
    proj_W = jax.random.normal(ks[3], (D, D), dtype=jnp.float32) * (1.0 / np.sqrt(D))
    proj_b = jnp.zeros((D,), dtype=jnp.float32)
    return {"x": x, "edge_index": edge_index, "assign_W": assign_W, "assign_b": assign_b, "proj_W": proj_W, "proj_b": proj_b}

def reference(x, edge_index, assign_W, assign_b, proj_W, proj_b):
    n = x.shape[0]
    # assignment matrix S = softmax(Linear(x))
    S = jax.nn.softmax(x @ assign_W + assign_b, axis=-1)
    # projected node features
    X_proj = x @ proj_W + proj_b
    # pooled cluster features Z = S^T X_proj
    Z = S.T @ X_proj
    # sparse adj (binary, one per edge) times S: adj_S[i] = sum_{j : (i,j) in E} S[j]
    row = edge_index[0]
    col = edge_index[1]
    adj_S = jax.ops.segment_sum(S[col], row, num_segments=n)
    # coarsened adjacency
    adj_new = S.T @ adj_S
    # degree vector deg[i] = row-sum of adj
    deg = jax.ops.segment_sum(jnp.ones((row.shape[0],), dtype=x.dtype), row, num_segments=n)
    Dm = deg[:, None] * jnp.ones_like(S)
    vol = jnp.trace(S.T @ Dm)
    cut = jnp.trace(adj_new)
    mincut_loss = -cut / (vol + 1e-09)
    SS = S.T @ S
    I = jnp.eye(S.shape[1], dtype=S.dtype)
    ortho_loss = jnp.linalg.norm(SS - I, ord='fro')
    return (Z, adj_new[None, :, :], mincut_loss, ortho_loss, S)

if __name__ == "__main__":
    import jax
    _d = setup_inputs()
    print(jax.jit(kernel)(*tuple(_d.values())))

</pallas_src>

<mosaic_0001>
#map = affine_map<(d0, d1) -> (0, 0)>
#map1 = affine_map<(d0, d1) -> (0)>
#map2 = affine_map<(d0, d1) -> (0, 0, 0)>
module attributes {stable_mosaic.version = 14 : i64} {
  func.func @k(%arg0: i32, %arg1: i32, %arg2: memref<10000x128xf32, #tpu.memory_space<hbm>>, %arg3: memref<480000xi32, #tpu.memory_space<hbm>>, %arg4: memref<320x128xf32, #tpu.memory_space<hbm>>, %arg5: memref<2x5000x128xf32, #tpu.memory_space<hbm>>, %arg6: memref<640xi32, #tpu.memory_space<vmem>>, %arg7: memref<640xi32, #tpu.memory_space<vmem>>, %arg8: memref<640xi32, #tpu.memory_space<vmem>>, %arg9: memref<640xi32, #tpu.memory_space<vmem>>, %arg10: memref<640x128xf32, #tpu.memory_space<vmem>>, %arg11: memref<5008x128xf32, #tpu.memory_space<vmem_shared>>, %arg12: memref<!tpu.dma_semaphore, #tpu.memory_space<semaphore_mem>>, %arg13: memref<!tpu.dma_semaphore, #tpu.memory_space<semaphore_mem>>, %arg14: memref<!tpu.dma_semaphore, #tpu.memory_space<semaphore_mem>>, %arg15: memref<!tpu.dma_semaphore, #tpu.memory_space<semaphore_mem>>) attributes {dimension_semantics = [#tpu.dimension_semantics<core_parallel>, #tpu.dimension_semantics<subcore_parallel>], iteration_bounds = array<i64: 2, 16>, scalar_prefetch = 0 : i64, scratch_operands = 10 : i64, tpu.core_type = #tpu.core_type<sc_vector_subcore>, window_params = [{transform_indices = #map}, {transform_indices = #map1}, {transform_indices = #map}, {transform_indices = #map2}]} {
    %add3A = arith.constant 0 : i32
    %add3A_0 = arith.addi %add3A, %arg1 : i32
    %mul3A = arith.constant 160000 : i32
    %mul3A_1 = arith.muli %arg0, %mul3A : i32
    %mul3A_2 = arith.constant 640 : i32
    %mul3A_3 = arith.muli %add3A_0, %mul3A_2 : i32
    %add3A_4 = arith.addi %mul3A_1, %mul3A_3 : i32
    %dma_start3A = tpu.memref_slice %arg3[%add3A_4] : memref<480000xi32, #tpu.memory_space<hbm>> -> memref<640xi32, #tpu.memory_space<hbm>>
    %dma_start3A_5 = tpu.memref_slice %arg3[%add3A_4] : memref<480000xi32, #tpu.memory_space<hbm>> -> memref<640xi32, #tpu.memory_space<hbm>>
    tpu.enqueue_dma source(%dma_start3A_5 : memref<640xi32, #tpu.memory_space<hbm>>) target(%arg6 : memref<640xi32, #tpu.memory_space<vmem>>) target_semaphore(%arg12 : memref<!tpu.dma_semaphore, #tpu.memory_space<semaphore_mem>>)
    %add3A_6 = arith.constant 0 : i32
    %add3A_7 = arith.addi %add3A_6, %arg1 : i32
    %mul3A_8 = arith.constant 640 : i32
    %mul3A_9 = arith.muli %add3A_7, %mul3A_8 : i32
    %add3A_10 = arith.constant 320000 : i32
    %add3A_11 = arith.addi %add3A_10, %mul3A_9 : i32
    %dma_start3A_12 = tpu.memref_slice %arg3[%add3A_11] : memref<480000xi32, #tpu.memory_space<hbm>> -> memref<640xi32, #tpu.memory_space<hbm>>
    %dma_start3A_13 = tpu.memref_slice %arg3[%add3A_11] : memref<480000xi32, #tpu.memory_space<hbm>> -> memref<640xi32, #tpu.memory_space<hbm>>
    tpu.enqueue_dma source(%dma_start3A_13 : memref<640xi32, #tpu.memory_space<hbm>>) target(%arg8 : memref<640xi32, #tpu.memory_space<vmem>>) target_semaphore(%arg14 : memref<!tpu.dma_semaphore, #tpu.memory_space<semaphore_mem>>)
    %add3A_14 = arith.constant 16 : i32
    %add3A_15 = arith.addi %add3A_14, %arg1 : i32
    %mul3A_16 = arith.constant 160000 : i32
    %mul3A_17 = arith.muli %arg0, %mul3A_16 : i32
    %mul3A_18 = arith.constant 640 : i32
    %mul3A_19 = arith.muli %add3A_15, %mul3A_18 : i32
    %add3A_20 = arith.addi %mul3A_17, %mul3A_19 : i32
    %dma_start3A_21 = tpu.memref_slice %arg3[%add3A_20] : memref<480000xi32, #tpu.memory_space<hbm>> -> memref<640xi32, #tpu.memory_space<hbm>>
    %dma_start3A_22 = tpu.memref_slice %arg3[%add3A_20] : memref<480000xi32, #tpu.memory_space<hbm>> -> memref<640xi32, #tpu.memory_space<hbm>>
    tpu.enqueue_dma source(%dma_start3A_22 : memref<640xi32, #tpu.memory_space<hbm>>) target(%arg7 : memref<640xi32, #tpu.memory_space<vmem>>) target_semaphore(%arg13 : memref<!tpu.dma_semaphore, #tpu.memory_space<semaphore_mem>>)
    %add3A_23 = arith.constant 16 : i32
    %add3A_24 = arith.addi %add3A_23, %arg1 : i32
    %mul3A_25 = arith.constant 640 : i32
    %mul3A_26 = arith.muli %add3A_24, %mul3A_25 : i32
    %add3A_27 = arith.constant 320000 : i32
    %add3A_28 = arith.addi %add3A_27, %mul3A_26 : i32
    %dma_start3A_29 = tpu.memref_slice %arg3[%add3A_28] : memref<480000xi32, #tpu.memory_space<hbm>> -> memref<640xi32, #tpu.memory_space<hbm>>
    %dma_start3A_30 = tpu.memref_slice %arg3[%add3A_28] : memref<480000xi32, #tpu.memory_space<hbm>> -> memref<640xi32, #tpu.memory_space<hbm>>
    tpu.enqueue_dma source(%dma_start3A_30 : memref<640xi32, #tpu.memory_space<hbm>>) target(%arg9 : memref<640xi32, #tpu.memory_space<vmem>>) target_semaphore(%arg15 : memref<!tpu.dma_semaphore, #tpu.memory_space<semaphore_mem>>)
    %lt3A = arith.constant 15 : i32
    %lt3A_31 = arith.cmpi slt, %arg1, %lt3A : i32
    %convert_element_type3A = arith.extui %lt3A_31 : i1 to i32
    %cond3A = arith.constant 0 : i32
    %cond3A_32 = arith.cmpi ne, %convert_element_type3A, %cond3A : i32
    scf.if %cond3A_32 {
      %mul3A_52 = arith.constant 320 : i32
      %mul3A_53 = arith.muli %arg1, %mul3A_52 : i32
      "tpu.region"() ({
        %run_scoped3A = tpu.sem_alloc : memref<!tpu.dma_semaphore, #tpu.memory_space<semaphore_mem>>
        %dma_start3A_54 = arith.constant 0 : i32
        %dma_start3A_55 = tpu.memref_slice %arg11[%mul3A_53, %dma_start3A_54] : memref<5008x128xf32, #tpu.memory_space<vmem_shared>> -> memref<320x128xf32, #tpu.memory_space<vmem_shared>>
        tpu.enqueue_dma source(%arg4 : memref<320x128xf32, #tpu.memory_space<hbm>>) target(%dma_start3A_55 : memref<320x128xf32, #tpu.memory_space<vmem_shared>>) target_semaphore(%run_scoped3A : memref<!tpu.dma_semaphore, #tpu.memory_space<semaphore_mem>>)
        %dma_wait3A = arith.constant 0 : i32
        %dma_wait3A_56 = tpu.memref_slice %arg11[%mul3A_53, %dma_wait3A] : memref<5008x128xf32, #tpu.memory_space<vmem_shared>> -> memref<320x128xf32, #tpu.memory_space<vmem_shared>>
        tpu.wait_dma2 semaphore(%run_scoped3A : memref<!tpu.dma_semaphore, #tpu.memory_space<semaphore_mem>>) src(%arg4 : memref<320x128xf32, #tpu.memory_space<hbm>>) dst(%dma_wait3A_56 : memref<320x128xf32, #tpu.memory_space<vmem_shared>>)
        tpu.yield
      }) : () -> ()
    } else {
    }
    %eq3A = arith.constant 15 : i32
    %eq3A_33 = arith.cmpi eq, %arg1, %eq3A : i32
    %convert_element_type3A_34 = arith.extui %eq3A_33 : i1 to i32
    %cond3A_35 = arith.constant 0 : i32
    %cond3A_36 = arith.cmpi ne, %convert_element_type3A_34, %cond3A_35 : i32
    scf.if %cond3A_36 {
      "tpu.region"() ({
        %run_scoped3A = tpu.sem_alloc : memref<!tpu.dma_semaphore, #tpu.memory_space<semaphore_mem>>
        %dma_start3A_52 = arith.constant 4800 : i32
        %dma_start3A_53 = arith.constant 0 : i32
        %dma_start3A_54 = tpu.memref_slice %arg11[%dma_start3A_52, %dma_start3A_53] : memref<5008x128xf32, #tpu.memory_space<vmem_shared>> -> memref<208x128xf32, #tpu.memory_space<vmem_shared>>
        %dma_start3A_55 = arith.constant 0 : i32
        %dma_start3A_56 = arith.constant 0 : i32
        %dma_start3A_57 = tpu.memref_slice %arg4[%dma_start3A_55, %dma_start3A_56] : memref<320x128xf32, #tpu.memory_space<hbm>> -> memref<208x128xf32, #tpu.memory_space<hbm>>
        tpu.enqueue_dma source(%dma_start3A_57 : memref<208x128xf32, #tpu.memory_space<hbm>>) target(%dma_start3A_54 : memref<208x128xf32, #tpu.memory_space<vmem_shared>>) target_semaphore(%run_scoped3A : memref<!tpu.dma_semaphore, #tpu.memory_space<semaphore_mem>>)
        %dma_wait3A = arith.constant 4800 : i32
        %dma_wait3A_58 = arith.constant 0 : i32
        %dma_wait3A_59 = tpu.memref_slice %arg11[%dma_wait3A, %dma_wait3A_58] : memref<5008x128xf32, #tpu.memory_space<vmem_shared>> -> memref<208x128xf32, #tpu.memory_space<vmem_shared>>
        %dma_wait3A_60 = arith.constant 0 : i32
        %dma_wait3A_61 = arith.constant 0 : i32
        %dma_wait3A_62 = tpu.memref_slice %arg4[%dma_wait3A_60, %dma_wait3A_61] : memref<320x128xf32, #tpu.memory_space<hbm>> -> memref<208x128xf32, #tpu.memory_space<hbm>>
        tpu.wait_dma2 semaphore(%run_scoped3A : memref<!tpu.dma_semaphore, #tpu.memory_space<semaphore_mem>>) src(%dma_wait3A_62 : memref<208x128xf32, #tpu.memory_space<hbm>>) dst(%dma_wait3A_59 : memref<208x128xf32, #tpu.memory_space<vmem_shared>>)
        tpu.yield
      }) : () -> ()
    } else {
    }
    %barrier3A = arith.constant 0 : index
    tpu.barrier barrier_id(%barrier3A)
    %scan3A = arith.constant 0 : i32
    %scan3A_37 = arith.constant 8 : i32
    %scan3A_38 = arith.addi %scan3A, %scan3A_37 : i32
    %scan3A_39 = arith.constant 1 : i32
    scf.for %scan3A_52 = %scan3A to %scan3A_38 step %scan3A_39  : i32 {
      %mul3A_53 = arith.constant 1 : i32
      %mul3A_54 = arith.muli %scan3A_52, %mul3A_53 : i32
      %add3A_55 = arith.constant 0 : i32
      %add3A_56 = arith.addi %add3A_55, %mul3A_54 : i32
      %mul3A_57 = arith.constant 2 : i32
      %mul3A_58 = arith.muli %mul3A_57, %add3A_56 : i32
      %add3A_59 = arith.constant 0 : i32
      %add3A_60 = arith.addi %mul3A_58, %add3A_59 : i32
      %mul3A_61 = arith.constant 16 : i32
      %mul3A_62 = arith.muli %add3A_60, %mul3A_61 : i32
      %add3A_63 = arith.addi %mul3A_62, %arg1 : i32
      %lt3A_64 = arith.constant 250 : i32
      %lt3A_65 = arith.cmpi slt, %add3A_63, %lt3A_64 : i32
      %convert_element_type3A_66 = arith.extui %lt3A_65 : i1 to i32
      %cond3A_67 = arith.constant 0 : i32
      %cond3A_68 = arith.cmpi ne, %convert_element_type3A_66, %cond3A_67 : i32
      scf.if %cond3A_68 {
        %mul3A_81 = arith.constant 160000 : i32
        %mul3A_82 = arith.muli %arg0, %mul3A_81 : i32
        %mul3A_83 = arith.constant 640 : i32
        %mul3A_84 = arith.muli %add3A_63, %mul3A_83 : i32
        %add3A_85 = arith.addi %mul3A_82, %mul3A_84 : i32
        %dma_wait3A = tpu.memref_slice %arg3[%add3A_85] : memref<480000xi32, #tpu.memory_space<hbm>> -> memref<640xi32, #tpu.memory_space<hbm>>
        %dma_wait3A_86 = tpu.memref_slice %arg3[%add3A_85] : memref<480000xi32, #tpu.memory_space<hbm>> -> memref<640xi32, #tpu.memory_space<hbm>>
        tpu.wait_dma2 semaphore(%arg12 : memref<!tpu.dma_semaphore, #tpu.memory_space<semaphore_mem>>) src(%dma_wait3A_86 : memref<640xi32, #tpu.memory_space<hbm>>) dst(%arg6 : memref<640xi32, #tpu.memory_space<vmem>>)
        %mul3A_87 = arith.constant 640 : i32
        %mul3A_88 = arith.muli %add3A_63, %mul3A_87 : i32
        %add3A_89 = arith.constant 320000 : i32
        %add3A_90 = arith.addi %add3A_89, %mul3A_88 : i32
        %dma_wait3A_91 = tpu.memref_slice %arg3[%add3A_90] : memref<480000xi32, #tpu.memory_space<hbm>> -> memref<640xi32, #tpu.memory_space<hbm>>
        %dma_wait3A_92 = tpu.memref_slice %arg3[%add3A_90] : memref<480000xi32, #tpu.memory_space<hbm>> -> memref<640xi32, #tpu.memory_space<hbm>>
        tpu.wait_dma2 semaphore(%arg14 : memref<!tpu.dma_semaphore, #tpu.memory_space<semaphore_mem>>) src(%dma_wait3A_92 : memref<640xi32, #tpu.memory_space<hbm>>) dst(%arg8 : memref<640xi32, #tpu.memory_space<vmem>>)
        "tpu.region"() ({
          %run_scoped3A = tpu.sem_alloc : memref<!tpu.dma_semaphore, #tpu.memory_space<semaphore_mem>>
          %dma_start3A_100 = arith.constant 0 : i32
          %dma_start3A_101 = arith.constant 0 : i32
          %dma_start3A_102 = tpu.memref_slice %arg2[%dma_start3A_100, %dma_start3A_101] : memref<10000x128xf32, #tpu.memory_space<hbm>> -> memref<10000x128xf32, #tpu.memory_space<hbm>>
          tpu.enqueue_indirect_dma source(%dma_start3A_102 : memref<10000x128xf32, #tpu.memory_space<hbm>>) target(%arg10 : memref<640x128xf32, #tpu.memory_space<vmem>>) offsets(%arg8 : memref<640xi32, #tpu.memory_space<vmem>>) semaphore(%run_scoped3A : memref<!tpu.dma_semaphore, #tpu.memory_space<semaphore_mem>>)
          %dma_wait3A_103 = arith.constant 0 : i32
          %dma_wait3A_104 = arith.constant 0 : i32
          %dma_wait3A_105 = tpu.memref_slice %arg2[%dma_wait3A_103, %dma_wait3A_104] : memref<10000x128xf32, #tpu.memory_space<hbm>> -> memref<10000x128xf32, #tpu.memory_space<hbm>>
          tpu.wait_indirect_dma semaphore(%run_scoped3A : memref<!tpu.dma_semaphore, #tpu.memory_space<semaphore_mem>>) src(%dma_wait3A_105 : memref<10000x128xf32, #tpu.memory_space<hbm>>) dst(%arg10 : memref<640x128xf32, #tpu.memory_space<vmem>>)
          tpu.yield
        }) : () -> ()
        "tpu.region"() ({
          %run_scoped3A = tpu.sem_alloc : memref<!tpu.dma_semaphore, #tpu.memory_space<semaphore_mem>>
          %dma_start3A_100 = arith.constant 0 : i32
          %dma_start3A_101 = arith.constant 0 : i32
          %dma_start3A_102 = tpu.memref_slice %arg11[%dma_start3A_100, %dma_start3A_101] : memref<5008x128xf32, #tpu.memory_space<vmem_shared>> -> memref<5008x128xf32, #tpu.memory_space<vmem_shared>>
          tpu.enqueue_indirect_dma source(%arg10 : memref<640x128xf32, #tpu.memory_space<vmem>>) target(%dma_start3A_102 : memref<5008x128xf32, #tpu.memory_space<vmem_shared>>) offsets(%arg6 : memref<640xi32, #tpu.memory_space<vmem>>) semaphore(%run_scoped3A : memref<!tpu.dma_semaphore, #tpu.memory_space<semaphore_mem>>) {add = true}
          %dma_wait3A_103 = arith.constant 0 : i32
          %dma_wait3A_104 = arith.constant 0 : i32
          %dma_wait3A_105 = tpu.memref_slice %arg11[%dma_wait3A_103, %dma_wait3A_104] : memref<5008x128xf32, #tpu.memory_space<vmem_shared>> -> memref<5008x128xf32, #tpu.memory_space<vmem_shared>>
          tpu.wait_indirect_dma semaphore(%run_scoped3A : memref<!tpu.dma_semaphore, #tpu.memory_space<semaphore_mem>>) src(%arg10 : memref<640x128xf32, #tpu.memory_space<vmem>>) dst(%dma_wait3A_105 : memref<5008x128xf32, #tpu.memory_space<vmem_shared>>)
          tpu.yield
        }) : () -> ()
        %add3A_93 = arith.constant 32 : i32
        %add3A_94 = arith.addi %add3A_63, %add3A_93 : i32
        %lt3A_95 = arith.constant 250 : i32
        %lt3A_96 = arith.cmpi slt, %add3A_94, %lt3A_95 : i32
        %convert_element_type3A_97 = arith.extui %lt3A_96 : i1 to i32
        %cond3A_98 = arith.constant 0 : i32
        %cond3A_99 = arith.cmpi ne, %convert_element_type3A_97, %cond3A_98 : i32
        scf.if %cond3A_99 {
          %add3A_100 = arith.constant 32 : i32
          %add3A_101 = arith.addi %add3A_63, %add3A_100 : i32
          %mul3A_102 = arith.constant 160000 : i32
          %mul3A_103 = arith.muli %arg0, %mul3A_102 : i32
          %mul3A_104 = arith.constant 640 : i32
          %mul3A_105 = arith.muli %add3A_101, %mul3A_104 : i32
          %add3A_106 = arith.addi %mul3A_103, %mul3A_105 : i32
          %dma_start3A_107 = tpu.memref_slice %arg3[%add3A_106] : memref<480000xi32, #tpu.memory_space<hbm>> -> memref<640xi32, #tpu.memory_space<hbm>>
          %dma_start3A_108 = tpu.memref_slice %arg3[%add3A_106] : memref<480000xi32, #tpu.memory_space<hbm>> -> memref<640xi32, #tpu.memory_space<hbm>>
          tpu.enqueue_dma source(%dma_start3A_108 : memref<640xi32, #tpu.memory_space<hbm>>) target(%arg6 : memref<640xi32, #tpu.memory_space<vmem>>) target_semaphore(%arg12 : memref<!tpu.dma_semaphore, #tpu.memory_space<semaphore_mem>>)
          %add3A_109 = arith.constant 32 : i32
          %add3A_110 = arith.addi %add3A_63, %add3A_109 : i32
          %mul3A_111 = arith.constant 640 : i32
          %mul3A_112 = arith.muli %add3A_110, %mul3A_111 : i32
          %add3A_113 = arith.constant 320000 : i32
          %add3A_114 = arith.addi %add3A_113, %mul3A_112 : i32
          %dma_start3A_115 = tpu.memref_slice %arg3[%add3A_114] : memref<480000xi32, #tpu.memory_space<hbm>> -> memref<640xi32, #tpu.memory_space<hbm>>
          %dma_start3A_116 = tpu.memref_slice %arg3[%add3A_114] : memref<480000xi32, #tpu.memory_space<hbm>> -> memref<640xi32, #tpu.memory_space<hbm>>
          tpu.enqueue_dma source(%dma_start3A_116 : memref<640xi32, #tpu.memory_space<hbm>>) target(%arg8 : memref<640xi32, #tpu.memory_space<vmem>>) target_semaphore(%arg14 : memref<!tpu.dma_semaphore, #tpu.memory_space<semaphore_mem>>)
        } else {
        }
      } else {
      }
      %mul3A_69 = arith.constant 2 : i32
      %mul3A_70 = arith.muli %mul3A_69, %add3A_56 : i32
      %add3A_71 = arith.constant 1 : i32
      %add3A_72 = arith.addi %mul3A_70, %add3A_71 : i32
      %mul3A_73 = arith.constant 16 : i32
      %mul3A_74 = arith.muli %add3A_72, %mul3A_73 : i32
      %add3A_75 = arith.addi %mul3A_74, %arg1 : i32
      %lt3A_76 = arith.constant 250 : i32
      %lt3A_77 = arith.cmpi slt, %add3A_75, %lt3A_76 : i32
      %convert_element_type3A_78 = arith.extui %lt3A_77 : i1 to i32
      %cond3A_79 = arith.constant 0 : i32
      %cond3A_80 = arith.cmpi ne, %convert_element_type3A_78, %cond3A_79 : i32
      scf.if %cond3A_80 {
        %mul3A_81 = arith.constant 160000 : i32
        %mul3A_82 = arith.muli %arg0, %mul3A_81 : i32
        %mul3A_83 = arith.constant 640 : i32
        %mul3A_84 = arith.muli %add3A_75, %mul3A_83 : i32
        %add3A_85 = arith.addi %mul3A_82, %mul3A_84 : i32
        %dma_wait3A = tpu.memref_slice %arg3[%add3A_85] : memref<480000xi32, #tpu.memory_space<hbm>> -> memref<640xi32, #tpu.memory_space<hbm>>
        %dma_wait3A_86 = tpu.memref_slice %arg3[%add3A_85] : memref<480000xi32, #tpu.memory_space<hbm>> -> memref<640xi32, #tpu.memory_space<hbm>>
        tpu.wait_dma2 semaphore(%arg13 : memref<!tpu.dma_semaphore, #tpu.memory_space<semaphore_mem>>) src(%dma_wait3A_86 : memref<640xi32, #tpu.memory_space<hbm>>) dst(%arg7 : memref<640xi32, #tpu.memory_space<vmem>>)
        %mul3A_87 = arith.constant 640 : i32
        %mul3A_88 = arith.muli %add3A_75, %mul3A_87 : i32
        %add3A_89 = arith.constant 320000 : i32
        %add3A_90 = arith.addi %add3A_89, %mul3A_88 : i32
        %dma_wait3A_91 = tpu.memref_slice %arg3[%add3A_90] : memref<480000xi32, #tpu.memory_space<hbm>> -> memref<640xi32, #tpu.memory_space<hbm>>
        %dma_wait3A_92 = tpu.memref_slice %arg3[%add3A_90] : memref<480000xi32, #tpu.memory_space<hbm>> -> memref<640xi32, #tpu.memory_space<hbm>>
        tpu.wait_dma2 semaphore(%arg15 : memref<!tpu.dma_semaphore, #tpu.memory_space<semaphore_mem>>) src(%dma_wait3A_92 : memref<640xi32, #tpu.memory_space<hbm>>) dst(%arg9 : memref<640xi32, #tpu.memory_space<vmem>>)
        "tpu.region"() ({
          %run_scoped3A = tpu.sem_alloc : memref<!tpu.dma_semaphore, #tpu.memory_space<semaphore_mem>>
          %dma_start3A_100 = arith.constant 0 : i32
          %dma_start3A_101 = arith.constant 0 : i32
          %dma_start3A_102 = tpu.memref_slice %arg2[%dma_start3A_100, %dma_start3A_101] : memref<10000x128xf32, #tpu.memory_space<hbm>> -> memref<10000x128xf32, #tpu.memory_space<hbm>>
          tpu.enqueue_indirect_dma source(%dma_start3A_102 : memref<10000x128xf32, #tpu.memory_space<hbm>>) target(%arg10 : memref<640x128xf32, #tpu.memory_space<vmem>>) offsets(%arg9 : memref<640xi32, #tpu.memory_space<vmem>>) semaphore(%run_scoped3A : memref<!tpu.dma_semaphore, #tpu.memory_space<semaphore_mem>>)
          %dma_wait3A_103 = arith.constant 0 : i32
          %dma_wait3A_104 = arith.constant 0 : i32
          %dma_wait3A_105 = tpu.memref_slice %arg2[%dma_wait3A_103, %dma_wait3A_104] : memref<10000x128xf32, #tpu.memory_space<hbm>> -> memref<10000x128xf32, #tpu.memory_space<hbm>>
          tpu.wait_indirect_dma semaphore(%run_scoped3A : memref<!tpu.dma_semaphore, #tpu.memory_space<semaphore_mem>>) src(%dma_wait3A_105 : memref<10000x128xf32, #tpu.memory_space<hbm>>) dst(%arg10 : memref<640x128xf32, #tpu.memory_space<vmem>>)
          tpu.yield
        }) : () -> ()
        "tpu.region"() ({
          %run_scoped3A = tpu.sem_alloc : memref<!tpu.dma_semaphore, #tpu.memory_space<semaphore_mem>>
          %dma_start3A_100 = arith.constant 0 : i32
          %dma_start3A_101 = arith.constant 0 : i32
          %dma_start3A_102 = tpu.memref_slice %arg11[%dma_start3A_100, %dma_start3A_101] : memref<5008x128xf32, #tpu.memory_space<vmem_shared>> -> memref<5008x128xf32, #tpu.memory_space<vmem_shared>>
          tpu.enqueue_indirect_dma source(%arg10 : memref<640x128xf32, #tpu.memory_space<vmem>>) target(%dma_start3A_102 : memref<5008x128xf32, #tpu.memory_space<vmem_shared>>) offsets(%arg7 : memref<640xi32, #tpu.memory_space<vmem>>) semaphore(%run_scoped3A : memref<!tpu.dma_semaphore, #tpu.memory_space<semaphore_mem>>) {add = true}
          %dma_wait3A_103 = arith.constant 0 : i32
          %dma_wait3A_104 = arith.constant 0 : i32
          %dma_wait3A_105 = tpu.memref_slice %arg11[%dma_wait3A_103, %dma_wait3A_104] : memref<5008x128xf32, #tpu.memory_space<vmem_shared>> -> memref<5008x128xf32, #tpu.memory_space<vmem_shared>>
          tpu.wait_indirect_dma semaphore(%run_scoped3A : memref<!tpu.dma_semaphore, #tpu.memory_space<semaphore_mem>>) src(%arg10 : memref<640x128xf32, #tpu.memory_space<vmem>>) dst(%dma_wait3A_105 : memref<5008x128xf32, #tpu.memory_space<vmem_shared>>)
          tpu.yield
        }) : () -> ()
        %add3A_93 = arith.constant 32 : i32
        %add3A_94 = arith.addi %add3A_75, %add3A_93 : i32
        %lt3A_95 = arith.constant 250 : i32
        %lt3A_96 = arith.cmpi slt, %add3A_94, %lt3A_95 : i32
        %convert_element_type3A_97 = arith.extui %lt3A_96 : i1 to i32
        %cond3A_98 = arith.constant 0 : i32
        %cond3A_99 = arith.cmpi ne, %convert_element_type3A_97, %cond3A_98 : i32
        scf.if %cond3A_99 {
          %add3A_100 = arith.constant 32 : i32
          %add3A_101 = arith.addi %add3A_75, %add3A_100 : i32
          %mul3A_102 = arith.constant 160000 : i32
          %mul3A_103 = arith.muli %arg0, %mul3A_102 : i32
          %mul3A_104 = arith.constant 640 : i32
          %mul3A_105 = arith.muli %add3A_101, %mul3A_104 : i32
          %add3A_106 = arith.addi %mul3A_103, %mul3A_105 : i32
          %dma_start3A_107 = tpu.memref_slice %arg3[%add3A_106] : memref<480000xi32, #tpu.memory_space<hbm>> -> memref<640xi32, #tpu.memory_space<hbm>>
          %dma_start3A_108 = tpu.memref_slice %arg3[%add3A_106] : memref<480000xi32, #tpu.memory_space<hbm>> -> memref<640xi32, #tpu.memory_space<hbm>>
          tpu.enqueue_dma source(%dma_start3A_108 : memref<640xi32, #tpu.memory_space<hbm>>) target(%arg7 : memref<640xi32, #tpu.memory_space<vmem>>) target_semaphore(%arg13 : memref<!tpu.dma_semaphore, #tpu.memory_space<semaphore_mem>>)
          %add3A_109 = arith.constant 32 : i32
          %add3A_110 = arith.addi %add3A_75, %add3A_109 : i32
          %mul3A_111 = arith.constant 640 : i32
          %mul3A_112 = arith.muli %add3A_110, %mul3A_111 : i32
          %add3A_113 = arith.constant 320000 : i32
          %add3A_114 = arith.addi %add3A_113, %mul3A_112 : i32
          %dma_start3A_115 = tpu.memref_slice %arg3[%add3A_114] : memref<480000xi32, #tpu.memory_space<hbm>> -> memref<640xi32, #tpu.memory_space<hbm>>
          %dma_start3A_116 = tpu.memref_slice %arg3[%add3A_114] : memref<480000xi32, #tpu.memory_space<hbm>> -> memref<640xi32, #tpu.memory_space<hbm>>
          tpu.enqueue_dma source(%dma_start3A_116 : memref<640xi32, #tpu.memory_space<hbm>>) target(%arg9 : memref<640xi32, #tpu.memory_space<vmem>>) target_semaphore(%arg15 : memref<!tpu.dma_semaphore, #tpu.memory_space<semaphore_mem>>)
        } else {
        }
      } else {
      }
    }
    %scan3A_40 = arith.constant 8 : i32
    %barrier3A_41 = arith.constant 0 : index
    tpu.barrier barrier_id(%barrier3A_41)
    %lt3A_42 = arith.constant 15 : i32
    %lt3A_43 = arith.cmpi slt, %arg1, %lt3A_42 : i32
    %convert_element_type3A_44 = arith.extui %lt3A_43 : i1 to i32
    %cond3A_45 = arith.constant 0 : i32
    %cond3A_46 = arith.cmpi ne, %convert_element_type3A_44, %cond3A_45 : i32
    scf.if %cond3A_46 {
      %mul3A_52 = arith.constant 320 : i32
      %mul3A_53 = arith.muli %arg1, %mul3A_52 : i32
      %mul3A_54 = arith.constant 320 : i32
      %mul3A_55 = arith.muli %arg1, %mul3A_54 : i32
      "tpu.region"() ({
        %run_scoped3A = tpu.sem_alloc : memref<!tpu.dma_semaphore, #tpu.memory_space<semaphore_mem>>
        %dma_start3A_56 = arith.constant 0 : i32
        %dma_start3A_57 = tpu.memref_slice %arg5[%arg0, %mul3A_55, %dma_start3A_56] : memref<2x5000x128xf32, #tpu.memory_space<hbm>> -> memref<1x320x128xf32, #tpu.memory_space<hbm>>
        %dma_start3A_58 = tpu.memref_squeeze %dma_start3A_57 : memref<1x320x128xf32, #tpu.memory_space<hbm>> -> memref<320x128xf32, #tpu.memory_space<hbm>>
        %dma_start3A_59 = arith.constant 0 : i32
        %dma_start3A_60 = tpu.memref_slice %arg11[%mul3A_53, %dma_start3A_59] : memref<5008x128xf32, #tpu.memory_space<vmem_shared>> -> memref<320x128xf32, #tpu.memory_space<vmem_shared>>
        tpu.enqueue_dma source(%dma_start3A_60 : memref<320x128xf32, #tpu.memory_space<vmem_shared>>) target(%dma_start3A_58 : memref<320x128xf32, #tpu.memory_space<hbm>>) target_semaphore(%run_scoped3A : memref<!tpu.dma_semaphore, #tpu.memory_space<semaphore_mem>>)
        %dma_wait3A = arith.constant 0 : i32
        %dma_wait3A_61 = tpu.memref_slice %arg5[%arg0, %mul3A_55, %dma_wait3A] : memref<2x5000x128xf32, #tpu.memory_space<hbm>> -> memref<1x320x128xf32, #tpu.memory_space<hbm>>
        %dma_wait3A_62 = tpu.memref_squeeze %dma_wait3A_61 : memref<1x320x128xf32, #tpu.memory_space<hbm>> -> memref<320x128xf32, #tpu.memory_space<hbm>>
        %dma_wait3A_63 = arith.constant 0 : i32
        %dma_wait3A_64 = tpu.memref_slice %arg11[%mul3A_53, %dma_wait3A_63] : memref<5008x128xf32, #tpu.memory_space<vmem_shared>> -> memref<320x128xf32, #tpu.memory_space<vmem_shared>>
        tpu.wait_dma2 semaphore(%run_scoped3A : memref<!tpu.dma_semaphore, #tpu.memory_space<semaphore_mem>>) src(%dma_wait3A_64 : memref<320x128xf32, #tpu.memory_space<vmem_shared>>) dst(%dma_wait3A_62 : memref<320x128xf32, #tpu.memory_space<hbm>>)
        tpu.yield
      }) : () -> ()
    } else {
    }
    %eq3A_47 = arith.constant 15 : i32
    %eq3A_48 = arith.cmpi eq, %arg1, %eq3A_47 : i32
    %convert_element_type3A_49 = arith.extui %eq3A_48 : i1 to i32
    %cond3A_50 = arith.constant 0 : i32
    %cond3A_51 = arith.cmpi ne, %convert_element_type3A_49, %cond3A_50 : i32
    scf.if %cond3A_51 {
      "tpu.region"() ({
        %run_scoped3A = tpu.sem_alloc : memref<!tpu.dma_semaphore, #tpu.memory_space<semaphore_mem>>
        %dma_start3A_52 = arith.constant 4800 : i32
        %dma_start3A_53 = arith.constant 0 : i32
        %dma_start3A_54 = tpu.memref_slice %arg5[%arg0, %dma_start3A_52, %dma_start3A_53] : memref<2x5000x128xf32, #tpu.memory_space<hbm>> -> memref<1x200x128xf32, #tpu.memory_space<hbm>>
        %dma_start3A_55 = tpu.memref_squeeze %dma_start3A_54 : memref<1x200x128xf32, #tpu.memory_space<hbm>> -> memref<200x128xf32, #tpu.memory_space<hbm>>
        %dma_start3A_56 = arith.constant 4800 : i32
        %dma_start3A_57 = arith.constant 0 : i32
        %dma_start3A_58 = tpu.memref_slice %arg11[%dma_start3A_56, %dma_start3A_57] : memref<5008x128xf32, #tpu.memory_space<vmem_shared>> -> memref<200x128xf32, #tpu.memory_space<vmem_shared>>
        tpu.enqueue_dma source(%dma_start3A_58 : memref<200x128xf32, #tpu.memory_space<vmem_shared>>) target(%dma_start3A_55 : memref<200x128xf32, #tpu.memory_space<hbm>>) target_semaphore(%run_scoped3A : memref<!tpu.dma_semaphore, #tpu.memory_space<semaphore_mem>>)
        %dma_wait3A = arith.constant 4800 : i32
        %dma_wait3A_59 = arith.constant 0 : i32
        %dma_wait3A_60 = tpu.memref_slice %arg5[%arg0, %dma_wait3A, %dma_wait3A_59] : memref<2x5000x128xf32, #tpu.memory_space<hbm>> -> memref<1x200x128xf32, #tpu.memory_space<hbm>>
        %dma_wait3A_61 = tpu.memref_squeeze %dma_wait3A_60 : memref<1x200x128xf32, #tpu.memory_space<hbm>> -> memref<200x128xf32, #tpu.memory_space<hbm>>
        %dma_wait3A_62 = arith.constant 4800 : i32
        %dma_wait3A_63 = arith.constant 0 : i32
        %dma_wait3A_64 = tpu.memref_slice %arg11[%dma_wait3A_62, %dma_wait3A_63] : memref<5008x128xf32, #tpu.memory_space<vmem_shared>> -> memref<200x128xf32, #tpu.memory_space<vmem_shared>>
        tpu.wait_dma2 semaphore(%run_scoped3A : memref<!tpu.dma_semaphore, #tpu.memory_space<semaphore_mem>>) src(%dma_wait3A_64 : memref<200x128xf32, #tpu.memory_space<vmem_shared>>) dst(%dma_wait3A_61 : memref<200x128xf32, #tpu.memory_space<hbm>>)
        tpu.yield
      }) : () -> ()
    } else {
    }
    return
  }
}

module attributes {stable_mosaic.version = 14 : i64} {
  func.func @_s_body(%arg0: i32, %arg1: memref<1000x256xf32, #tpu.memory_space<vmem>>, %arg2: memref<256x128xf32, #tpu.memory_space<vmem>>, %arg3: memref<8x128xf32, #tpu.memory_space<vmem>>, %arg4: memref<1000x128xf32, #tpu.memory_space<vmem>>) attributes {dimension_semantics = [#tpu.dimension_semantics<arbitrary>], iteration_bounds = array<i64: 10>, scalar_prefetch = 0 : i64, scratch_operands = 0 : i64, tpu.core_type = #tpu.core_type<tc>, window_params = [{transform_indices = @transform_0, window_bounds = array<i64: 1000, 256>}, {pipeline_mode = #tpu.pipeline_mode<synchronous>, transform_indices = @transform_1, window_bounds = array<i64: 256, 128>}, {pipeline_mode = #tpu.pipeline_mode<synchronous>, transform_indices = @transform_2, window_bounds = array<i64: 8, 128>}, {transform_indices = @transform_3, window_bounds = array<i64: 1000, 128>}]} {
    %get3A = arith.constant 0 : index
    %get3A_0 = arith.constant 0 : index
    %get3A_1 = vector.load %arg1[%get3A, %get3A_0] : memref<1000x256xf32, #tpu.memory_space<vmem>>, vector<1000x256xf32>
    %get3A_2 = arith.constant 0 : index
    %get3A_3 = arith.constant 0 : index
    %get3A_4 = vector.load %arg2[%get3A_2, %get3A_3] : memref<256x128xf32, #tpu.memory_space<vmem>>, vector<256x128xf32>
    %dot_general3A = arith.constant dense<0.000000e+00> : vector<1000x128xf32>
    %dot_general3A_5 = tpu.matmul %get3A_1, %get3A_4, %dot_general3A {dimension_numbers = #tpu.dot_dimension_numbers<[1], [0], [0], [1], [0, 0, 1, 1], [], []>, transpose_lhs_hint = false} : vector<1000x256xf32>, vector<256x128xf32>, vector<1000x128xf32> -> vector<1000x128xf32>
    %get3A_6 = arith.constant 0 : index
    %get3A_7 = arith.constant 0 : index
    %get3A_8 = vector.load %arg3[%get3A_6, %get3A_7] : memref<8x128xf32, #tpu.memory_space<vmem>>, vector<1x128xf32>
    %add3A = vector.broadcast %get3A_8 : vector<1x128xf32> to vector<1000x128xf32>
    %add3A_9 = arith.addf %dot_general3A_5, %add3A : vector<1000x128xf32>
    %reduce_max3A = arith.constant dense<0xFF800000> : vector<1000xf32>
    %reduce_max3A_10 = vector.multi_reduction <maximumf>, %add3A_9, %reduce_max3A [1] : vector<1000x128xf32> to vector<1000xf32>
    %broadcast_in_dim3A = vector.shape_cast %reduce_max3A_10 : vector<1000xf32> to vector<1000x1xf32>
    %sub3A = vector.broadcast %broadcast_in_dim3A : vector<1000x1xf32> to vector<1000x128xf32>
    %sub3A_11 = arith.subf %add3A_9, %sub3A : vector<1000x128xf32>
    %exp3A = math.exp %sub3A_11 : vector<1000x128xf32>
    %reduce_sum3A = arith.constant dense<0.000000e+00> : vector<1000xf32>
    %reduce_sum3A_12 = vector.multi_reduction <add>, %exp3A, %reduce_sum3A [1] : vector<1000x128xf32> to vector<1000xf32>
    %broadcast_in_dim3A_13 = vector.shape_cast %reduce_sum3A_12 : vector<1000xf32> to vector<1000x1xf32>
    %div3A = vector.broadcast %broadcast_in_dim3A_13 : vector<1000x1xf32> to vector<1000x128xf32>
    %div3A_14 = arith.divf %exp3A, %div3A : vector<1000x128xf32>
    %swap3A = arith.constant 0 : index
    %swap3A_15 = arith.constant 0 : index
    %swap3A_16 = vector.load %arg4[%swap3A, %swap3A_15] : memref<1000x128xf32, #tpu.memory_space<vmem>>, vector<1000x128xf32>
    tpu.vector_store %arg4[%swap3A, %swap3A_15], %div3A_14 {strides = array<i32>} : memref<1000x128xf32, #tpu.memory_space<vmem>>, vector<1000x128xf32>,
    return
  }
  func.func @transform_0(%arg0: i32) -> (i32, i32) {
    %c0_i32 = arith.constant 0 : i32
    %c0_i32_0 = arith.constant 0 : i32
    return %arg0, %c0_i32 : i32, i32
  }
  func.func @transform_1(%arg0: i32) -> (i32, i32) {
    %c0_i32 = arith.constant 0 : i32
    %c0_i32_0 = arith.constant 0 : i32
    %c0_i32_1 = arith.constant 0 : i32
    return %c0_i32, %c0_i32_0 : i32, i32
  }
  func.func @transform_2(%arg0: i32) -> (i32, i32) {
    %c0_i32 = arith.constant 0 : i32
    %c0_i32_0 = arith.constant 0 : i32
    %c0_i32_1 = arith.constant 0 : i32
    return %c0_i32, %c0_i32_0 : i32, i32
  }
  func.func @transform_3(%arg0: i32) -> (i32, i32) {
    %c0_i32 = arith.constant 0 : i32
    %c0_i32_0 = arith.constant 0 : i32
    return %arg0, %c0_i32 : i32, i32
  }
}

module attributes {stable_mosaic.version = 14 : i64} {
  func.func @_stats_body(%arg0: i32, %arg1: memref<1000x128xf32, #tpu.memory_space<vmem>>, %arg2: memref<1000x256xf32, #tpu.memory_space<vmem>>, %arg3: memref<32x256xf32, #tpu.memory_space<vmem>>, %arg4: memref<32x32xf32, #tpu.memory_space<vmem>>) attributes {dimension_semantics = [#tpu.dimension_semantics<arbitrary>], iteration_bounds = array<i64: 10>, scalar_prefetch = 0 : i64, scratch_operands = 0 : i64, tpu.core_type = #tpu.core_type<tc>, window_params = [{transform_indices = @transform_0, window_bounds = array<i64: 1000, 128>}, {transform_indices = @transform_1, window_bounds = array<i64: 1000, 256>}, {pipeline_mode = #tpu.pipeline_mode<synchronous>, transform_indices = @transform_2, window_bounds = array<i64: 32, 256>}, {pipeline_mode = #tpu.pipeline_mode<synchronous>, transform_indices = @transform_3, window_bounds = array<i64: 32, 32>}]} {
    %get3A = arith.constant 0 : index
    %get3A_0 = arith.constant 0 : index
    %get3A_1 = vector.load %arg1[%get3A, %get3A_0] : memref<1000x128xf32, #tpu.memory_space<vmem>>, vector<1000x128xf32>
    %slice3A = vector.extract_strided_slice %get3A_1 {offsets = [0, 0], sizes = [1000, 32], strides = [1, 1]} : vector<1000x128xf32> to vector<1000x32xf32>
    %iota3A = tpu.iota {dimensions = array<i32: 1>} : vector<1000x32xi32>
    %eq3A = arith.constant 31 : i32
    %eq3A_2 = vector.broadcast %eq3A : i32 to vector<1000x32xi32>
    %eq3A_3 = arith.cmpi eq, %iota3A, %eq3A_2 : vector<1000x32xi32>
    %jit3A = arith.constant 1.000000e+00 : f32
    %broadcast_in_dim3A = vector.broadcast %jit3A : f32 to vector<1000x32xf32>
    %select_n3A = arith.select %eq3A_3, %broadcast_in_dim3A, %slice3A : vector<1000x32xi1>, vector<1000x32xf32>
    %get3A_4 = arith.constant 0 : index
    %get3A_5 = arith.constant 0 : index
    %get3A_6 = vector.load %arg2[%get3A_4, %get3A_5] : memref<1000x256xf32, #tpu.memory_space<vmem>>, vector<1000x256xf32>
    %dot_general3A = arith.constant dense<0.000000e+00> : vector<32x256xf32>
    %dot_general3A_7 = tpu.matmul %slice3A, %get3A_6, %dot_general3A {dimension_numbers = #tpu.dot_dimension_numbers<[0], [0], [1], [1], [0, 1, 1, 1], [], []>, transpose_lhs_hint = false} : vector<1000x32xf32>, vector<1000x256xf32>, vector<32x256xf32> -> vector<32x256xf32>
    %dot_general3A_8 = arith.constant dense<0.000000e+00> : vector<32x32xf32>
    %dot_general3A_9 = tpu.matmul %slice3A, %select_n3A, %dot_general3A_8 {dimension_numbers = #tpu.dot_dimension_numbers<[0], [0], [1], [1], [0, 1, 1, 1], [], []>, transpose_lhs_hint = false} : vector<1000x32xf32>, vector<1000x32xf32>, vector<32x32xf32> -> vector<32x32xf32>
    %eq3A_10 = arith.constant 0 : i32
    %eq3A_11 = arith.cmpi eq, %arg0, %eq3A_10 : i32
    %convert_element_type3A = arith.extui %eq3A_11 : i1 to i32
    %cond3A = arith.constant 0 : i32
    %cond3A_12 = arith.cmpi ne, %convert_element_type3A, %cond3A : i32
    scf.if %cond3A_12 {
      %swap3A = arith.constant 0 : index
      %swap3A_17 = arith.constant 0 : index
      %swap3A_18 = vector.load %arg3[%swap3A, %swap3A_17] : memref<32x256xf32, #tpu.memory_space<vmem>>, vector<32x256xf32>
      tpu.vector_store %arg3[%swap3A, %swap3A_17], %dot_general3A_7 {strides = array<i32>} : memref<32x256xf32, #tpu.memory_space<vmem>>, vector<32x256xf32>,
      %swap3A_19 = arith.constant 0 : index
      %swap3A_20 = arith.constant 0 : index
      %swap3A_21 = vector.load %arg4[%swap3A_19, %swap3A_20] : memref<32x32xf32, #tpu.memory_space<vmem>>, vector<32x32xf32>
      tpu.vector_store %arg4[%swap3A_19, %swap3A_20], %dot_general3A_9 {strides = array<i32>} : memref<32x32xf32, #tpu.memory_space<vmem>>, vector<32x32xf32>,
    } else {
    }
    %ne3A = arith.constant 0 : i32
    %ne3A_13 = arith.cmpi ne, %arg0, %ne3A : i32
    %convert_element_type3A_14 = arith.extui %ne3A_13 : i1 to i32
    %cond3A_15 = arith.constant 0 : i32
    %cond3A_16 = arith.cmpi ne, %convert_element_type3A_14, %cond3A_15 : i32
    scf.if %cond3A_16 {
      %get3A_17 = arith.constant 0 : index
      %get3A_18 = arith.constant 0 : index
      %get3A_19 = vector.load %arg3[%get3A_17, %get3A_18] : memref<32x256xf32, #tpu.memory_space<vmem>>, vector<32x256xf32>
      %add3A = arith.addf %get3A_19, %dot_general3A_7 : vector<32x256xf32>
      %swap3A = arith.constant 0 : index
      %swap3A_20 = arith.constant 0 : index
      %swap3A_21 = vector.load %arg3[%swap3A, %swap3A_20] : memref<32x256xf32, #tpu.memory_space<vmem>>, vector<32x256xf32>
      tpu.vector_store %arg3[%swap3A, %swap3A_20], %add3A {strides = array<i32>} : memref<32x256xf32, #tpu.memory_space<vmem>>, vector<32x256xf32>,
      %get3A_22 = arith.constant 0 : index
      %get3A_23 = arith.constant 0 : index
      %get3A_24 = vector.load %arg4[%get3A_22, %get3A_23] : memref<32x32xf32, #tpu.memory_space<vmem>>, vector<32x32xf32>
      %add3A_25 = arith.addf %get3A_24, %dot_general3A_9 : vector<32x32xf32>
      %swap3A_26 = arith.constant 0 : index
      %swap3A_27 = arith.constant 0 : index
      %swap3A_28 = vector.load %arg4[%swap3A_26, %swap3A_27] : memref<32x32xf32, #tpu.memory_space<vmem>>, vector<32x32xf32>
      tpu.vector_store %arg4[%swap3A_26, %swap3A_27], %add3A_25 {strides = array<i32>} : memref<32x32xf32, #tpu.memory_space<vmem>>, vector<32x32xf32>,
    } else {
    }
    return
  }
  func.func @transform_0(%arg0: i32) -> (i32, i32) {
    %c0_i32 = arith.constant 0 : i32
    %c0_i32_0 = arith.constant 0 : i32
    return %arg0, %c0_i32 : i32, i32
  }
  func.func @transform_1(%arg0: i32) -> (i32, i32) {
    %c0_i32 = arith.constant 0 : i32
    %c0_i32_0 = arith.constant 0 : i32
    return %arg0, %c0_i32 : i32, i32
  }
  func.func @transform_2(%arg0: i32) -> (i32, i32) {
    %c0_i32 = arith.constant 0 : i32
    %c0_i32_0 = arith.constant 0 : i32
    %c0_i32_1 = arith.constant 0 : i32
    return %c0_i32, %c0_i32_0 : i32, i32
  }
  func.func @transform_3(%arg0: i32) -> (i32, i32) {
    %c0_i32 = arith.constant 0 : i32
    %c0_i32_0 = arith.constant 0 : i32
    %c0_i32_1 = arith.constant 0 : i32
    return %c0_i32, %c0_i32_0 : i32, i32
  }
}

module attributes {stable_mosaic.version = 14 : i64} {
  func.func @_final_body(%arg0: i32, %arg1: memref<1000x128xf32, #tpu.memory_space<vmem>>, %arg2: memref<1x1000x128xf32, #tpu.memory_space<vmem>>, %arg3: memref<32x32xf32, #tpu.memory_space<vmem>>, %arg4: memref<32x256xf32, #tpu.memory_space<vmem>>, %arg5: memref<256x256xf32, #tpu.memory_space<vmem>>, %arg6: memref<8x256xf32, #tpu.memory_space<vmem>>, %arg7: memref<32x32xf32, #tpu.memory_space<vmem>>, %arg8: memref<32x256xf32, #tpu.memory_space<vmem>>, %arg9: memref<8x128xf32, #tpu.memory_space<vmem>>) attributes {dimension_semantics = [#tpu.dimension_semantics<arbitrary>], iteration_bounds = array<i64: 10>, scalar_prefetch = 0 : i64, scratch_operands = 0 : i64, tpu.core_type = #tpu.core_type<tc>, window_params = [{transform_indices = @transform_0, window_bounds = array<i64: 1000, 128>}, {transform_indices = @transform_1, window_bounds = array<i64: 1, 1000, 128>}, {pipeline_mode = #tpu.pipeline_mode<synchronous>, transform_indices = @transform_2, window_bounds = array<i64: 32, 32>}, {pipeline_mode = #tpu.pipeline_mode<synchronous>, transform_indices = @transform_3, window_bounds = array<i64: 32, 256>}, {pipeline_mode = #tpu.pipeline_mode<synchronous>, transform_indices = @transform_4, window_bounds = array<i64: 256, 256>}, {pipeline_mode = #tpu.pipeline_mode<synchronous>, transform_indices = @transform_5, window_bounds = array<i64: 8, 256>}, {pipeline_mode = #tpu.pipeline_mode<synchronous>, transform_indices = @transform_6, window_bounds = array<i64: 32, 32>}, {pipeline_mode = #tpu.pipeline_mode<synchronous>, transform_indices = @transform_7, window_bounds = array<i64: 32, 256>}, {pipeline_mode = #tpu.pipeline_mode<synchronous>, transform_indices = @transform_8, window_bounds = array<i64: 8, 128>}]} {
    %get3A = arith.constant 0 : index
    %get3A_0 = arith.constant 0 : index
    %get3A_1 = vector.load %arg1[%get3A, %get3A_0] : memref<1000x128xf32, #tpu.memory_space<vmem>>, vector<1000x128xf32>
    %slice3A = vector.extract_strided_slice %get3A_1 {offsets = [0, 0], sizes = [1000, 32], strides = [1, 1]} : vector<1000x128xf32> to vector<1000x32xf32>
    %get3A_2 = arith.constant 0 : index
    %get3A_3 = arith.constant 0 : index
    %get3A_4 = arith.constant 0 : index
    %get3A_5 = vector.load %arg2[%get3A_2, %get3A_3, %get3A_4] : memref<1x1000x128xf32, #tpu.memory_space<vmem>>, vector<1x1000x128xf32>
    %get3A_6 = vector.shape_cast %get3A_5 : vector<1x1000x128xf32> to vector<1000x128xf32>
    %slice3A_7 = vector.extract_strided_slice %get3A_6 {offsets = [0, 0], sizes = [1000, 32], strides = [1, 1]} : vector<1000x128xf32> to vector<1000x32xf32>
    %iota3A = tpu.iota {dimensions = array<i32: 1>} : vector<1000x32xi32>
    %reduce_sum3A = arith.constant dense<0.000000e+00> : vector<1000xf32>
    %reduce_sum3A_8 = vector.multi_reduction <add>, %slice3A, %reduce_sum3A [1] : vector<1000x32xf32> to vector<1000xf32>
    %broadcast_in_dim3A = vector.shape_cast %reduce_sum3A_8 : vector<1000xf32> to vector<1000x1xf32>
    %reduce_sum3A_9 = arith.constant dense<0.000000e+00> : vector<1000xf32>
    %reduce_sum3A_10 = vector.multi_reduction <add>, %slice3A_7, %reduce_sum3A_9 [1] : vector<1000x32xf32> to vector<1000xf32>
    %broadcast_in_dim3A_11 = vector.shape_cast %reduce_sum3A_10 : vector<1000xf32> to vector<1000x1xf32>
    %eq3A = arith.constant 31 : i32
    %eq3A_12 = vector.broadcast %eq3A : i32 to vector<1000x32xi32>
    %eq3A_13 = arith.cmpi eq, %iota3A, %eq3A_12 : vector<1000x32xi32>
    %broadcast_in_dim3A_14 = vector.shape_cast %broadcast_in_dim3A : vector<1000x1xf32> to vector<1000x1xf32>
    %broadcast_in_dim3A_15 = vector.broadcast %broadcast_in_dim3A_14 : vector<1000x1xf32> to vector<1000x32xf32>
    %select_n3A = arith.select %eq3A_13, %broadcast_in_dim3A_15, %slice3A : vector<1000x32xi1>, vector<1000x32xf32>
    %eq3A_16 = arith.constant 31 : i32
    %eq3A_17 = vector.broadcast %eq3A_16 : i32 to vector<1000x32xi32>
    %eq3A_18 = arith.cmpi eq, %iota3A, %eq3A_17 : vector<1000x32xi32>
    %broadcast_in_dim3A_19 = vector.shape_cast %broadcast_in_dim3A_11 : vector<1000x1xf32> to vector<1000x1xf32>
    %broadcast_in_dim3A_20 = vector.broadcast %broadcast_in_dim3A_19 : vector<1000x1xf32> to vector<1000x32xf32>
    %select_n3A_21 = arith.select %eq3A_18, %broadcast_in_dim3A_20, %slice3A_7 : vector<1000x32xi1>, vector<1000x32xf32>
    %dot_general3A = arith.constant dense<0.000000e+00> : vector<32x32xf32>
    %dot_general3A_22 = tpu.matmul %select_n3A, %select_n3A_21, %dot_general3A {dimension_numbers = #tpu.dot_dimension_numbers<[0], [0], [1], [1], [0, 1, 1, 1], [], []>, transpose_lhs_hint = false} : vector<1000x32xf32>, vector<1000x32xf32>, vector<32x32xf32> -> vector<32x32xf32>
    %eq3A_23 = arith.constant 0 : i32
    %eq3A_24 = arith.cmpi eq, %arg0, %eq3A_23 : i32
    %convert_element_type3A = arith.extui %eq3A_24 : i1 to i32
    %cond3A = arith.constant 0 : i32
    %cond3A_25 = arith.cmpi ne, %convert_element_type3A, %cond3A : i32
    scf.if %cond3A_25 {
      %swap3A = arith.constant 0 : index
      %swap3A_35 = arith.constant 0 : index
      %swap3A_36 = vector.load %arg7[%swap3A, %swap3A_35] : memref<32x32xf32, #tpu.memory_space<vmem>>, vector<32x32xf32>
      tpu.vector_store %arg7[%swap3A, %swap3A_35], %dot_general3A_22 {strides = array<i32>} : memref<32x32xf32, #tpu.memory_space<vmem>>, vector<32x32xf32>,
    } else {
    }
    %ne3A = arith.constant 0 : i32
    %ne3A_26 = arith.cmpi ne, %arg0, %ne3A : i32
    %convert_element_type3A_27 = arith.extui %ne3A_26 : i1 to i32
    %cond3A_28 = arith.constant 0 : i32
    %cond3A_29 = arith.cmpi ne, %convert_element_type3A_27, %cond3A_28 : i32
    scf.if %cond3A_29 {
      %get3A_35 = arith.constant 0 : index
      %get3A_36 = arith.constant 0 : index
      %get3A_37 = vector.load %arg7[%get3A_35, %get3A_36] : memref<32x32xf32, #tpu.memory_space<vmem>>, vector<32x32xf32>
      %add3A = arith.addf %get3A_37, %dot_general3A_22 : vector<32x32xf32>
      %swap3A = arith.constant 0 : index
      %swap3A_38 = arith.constant 0 : index
      %swap3A_39 = vector.load %arg7[%swap3A, %swap3A_38] : memref<32x32xf32, #tpu.memory_space<vmem>>, vector<32x32xf32>
      tpu.vector_store %arg7[%swap3A, %swap3A_38], %add3A {strides = array<i32>} : memref<32x32xf32, #tpu.memory_space<vmem>>, vector<32x32xf32>,
    } else {
    }
    %eq3A_30 = arith.constant 9 : i32
    %eq3A_31 = arith.cmpi eq, %arg0, %eq3A_30 : i32
    %convert_element_type3A_32 = arith.extui %eq3A_31 : i1 to i32
    %cond3A_33 = arith.constant 0 : i32
    %cond3A_34 = arith.cmpi ne, %convert_element_type3A_32, %cond3A_33 : i32
    scf.if %cond3A_34 {
      %iota3A_35 = tpu.iota {dimensions = array<i32: 0>} : vector<32x32xi32>
      %iota3A_36 = tpu.iota {dimensions = array<i32: 1>} : vector<32x32xi32>
      %get3A_37 = arith.constant 0 : index
      %get3A_38 = arith.constant 0 : index
      %get3A_39 = vector.load %arg7[%get3A_37, %get3A_38] : memref<32x32xf32, #tpu.memory_space<vmem>>, vector<32x32xf32>
      %eq3A_40 = arith.cmpi eq, %iota3A_35, %iota3A_36 : vector<32x32xi32>
      %lt3A = arith.constant 30 : i32
      %lt3A_41 = vector.broadcast %lt3A : i32 to vector<32x32xi32>
      %lt3A_42 = arith.cmpi slt, %iota3A_35, %lt3A_41 : vector<32x32xi32>
      %and3A = arith.andi %eq3A_40, %lt3A_42 : vector<32x32xi1>
      %jit3A = arith.constant 0.000000e+00 : f32
      %broadcast_in_dim3A_43 = vector.broadcast %jit3A : f32 to vector<32x32xf32>
      %select_n3A_44 = arith.select %and3A, %get3A_39, %broadcast_in_dim3A_43 : vector<32x32xi1>, vector<32x32xf32>
      %reduce_sum3A_45 = vector.shape_cast %select_n3A_44 : vector<32x32xf32> to vector<1x32x32xf32>
      %reduce_sum3A_46 = arith.constant dense<0.000000e+00> : vector<1xf32>
      %reduce_sum3A_47 = vector.multi_reduction <add>, %reduce_sum3A_45, %reduce_sum3A_46 [1, 2] : vector<1x32x32xf32> to vector<1xf32>
      %reduce_sum3A_48 = vector.shape_cast %reduce_sum3A_47 : vector<1xf32> to vector<1x1x1xf32>
      %reduce_sum3A_49 = vector.extract %reduce_sum3A_48[0, 0, 0] : f32 from vector<1x1x1xf32>
      %eq3A_50 = arith.constant 31 : i32
      %eq3A_51 = vector.broadcast %eq3A_50 : i32 to vector<32x32xi32>
      %eq3A_52 = arith.cmpi eq, %iota3A_35, %eq3A_51 : vector<32x32xi32>
      %eq3A_53 = arith.constant 31 : i32
      %eq3A_54 = vector.broadcast %eq3A_53 : i32 to vector<32x32xi32>
      %eq3A_55 = arith.cmpi eq, %iota3A_36, %eq3A_54 : vector<32x32xi32>
      %and3A_56 = arith.andi %eq3A_52, %eq3A_55 : vector<32x32xi1>
      %jit3A_57 = arith.constant 0.000000e+00 : f32
      %broadcast_in_dim3A_58 = vector.broadcast %jit3A_57 : f32 to vector<32x32xf32>
      %select_n3A_59 = arith.select %and3A_56, %get3A_39, %broadcast_in_dim3A_58 : vector<32x32xi1>, vector<32x32xf32>
      %reduce_sum3A_60 = vector.shape_cast %select_n3A_59 : vector<32x32xf32> to vector<1x32x32xf32>
      %reduce_sum3A_61 = arith.constant dense<0.000000e+00> : vector<1xf32>
      %reduce_sum3A_62 = vector.multi_reduction <add>, %reduce_sum3A_60, %reduce_sum3A_61 [1, 2] : vector<1x32x32xf32> to vector<1xf32>
      %reduce_sum3A_63 = vector.shape_cast %reduce_sum3A_62 : vector<1xf32> to vector<1x1x1xf32>
      %reduce_sum3A_64 = vector.extract %reduce_sum3A_63[0, 0, 0] : f32 from vector<1x1x1xf32>
      %neg3A = arith.constant 0.000000e+00 : f32
      %neg3A_65 = arith.subf %neg3A, %reduce_sum3A_49 : f32
      %add3A = arith.constant 9.99999971E-10 : f32
      %add3A_66 = arith.addf %reduce_sum3A_64, %add3A : f32
      %div3A = arith.divf %neg3A_65, %add3A_66 : f32
      %get3A_67 = arith.constant 0 : index
      %get3A_68 = arith.constant 0 : index
      %get3A_69 = vector.load %arg3[%get3A_67, %get3A_68] : memref<32x32xf32, #tpu.memory_space<vmem>>, vector<32x32xf32>
      %eq3A_70 = arith.cmpi eq, %iota3A_35, %iota3A_36 : vector<32x32xi32>
      %lt3A_71 = arith.constant 30 : i32
      %lt3A_72 = vector.broadcast %lt3A_71 : i32 to vector<32x32xi32>
      %lt3A_73 = arith.cmpi slt, %iota3A_35, %lt3A_72 : vector<32x32xi32>
      %and3A_74 = arith.andi %eq3A_70, %lt3A_73 : vector<32x32xi1>
      %jit3A_75 = arith.constant 1.000000e+00 : f32
      %jit3A_76 = arith.constant 0.000000e+00 : f32
      %broadcast_in_dim3A_77 = vector.broadcast %jit3A_75 : f32 to vector<32x32xf32>
      %broadcast_in_dim3A_78 = vector.broadcast %jit3A_76 : f32 to vector<32x32xf32>
      %select_n3A_79 = arith.select %and3A_74, %broadcast_in_dim3A_77, %broadcast_in_dim3A_78 : vector<32x32xi1>, vector<32x32xf32>
      %lt3A_80 = arith.constant 30 : i32
      %lt3A_81 = vector.broadcast %lt3A_80 : i32 to vector<32x32xi32>
      %lt3A_82 = arith.cmpi slt, %iota3A_35, %lt3A_81 : vector<32x32xi32>
      %lt3A_83 = arith.constant 30 : i32
      %lt3A_84 = vector.broadcast %lt3A_83 : i32 to vector<32x32xi32>
      %lt3A_85 = arith.cmpi slt, %iota3A_36, %lt3A_84 : vector<32x32xi32>
      %and3A_86 = arith.andi %lt3A_82, %lt3A_85 : vector<32x32xi1>
      %sub3A = arith.subf %get3A_69, %select_n3A_79 : vector<32x32xf32>
      %jit3A_87 = arith.constant 0.000000e+00 : f32
      %broadcast_in_dim3A_88 = vector.broadcast %jit3A_87 : f32 to vector<32x32xf32>
      %select_n3A_89 = arith.select %and3A_86, %sub3A, %broadcast_in_dim3A_88 : vector<32x32xi1>, vector<32x32xf32>
      %mul3A = arith.mulf %select_n3A_89, %select_n3A_89 : vector<32x32xf32>
      %reduce_sum3A_90 = vector.shape_cast %mul3A : vector<32x32xf32> to vector<1x32x32xf32>
      %reduce_sum3A_91 = arith.constant dense<0.000000e+00> : vector<1xf32>
      %reduce_sum3A_92 = vector.multi_reduction <add>, %reduce_sum3A_90, %reduce_sum3A_91 [1, 2] : vector<1x32x32xf32> to vector<1xf32>
      %reduce_sum3A_93 = vector.shape_cast %reduce_sum3A_92 : vector<1xf32> to vector<1x1x1xf32>
      %reduce_sum3A_94 = vector.extract %reduce_sum3A_93[0, 0, 0] : f32 from vector<1x1x1xf32>
      %sqrt3A = math.sqrt %reduce_sum3A_94 : f32
      %slice3A_95 = vector.extract_strided_slice %get3A_69 {offsets = [0, 31], sizes = [32, 1], strides = [1, 1]} : vector<32x32xf32> to vector<32x1xf32>
      %get3A_96 = arith.constant 0 : index
      %get3A_97 = arith.constant 0 : index
      %get3A_98 = vector.load %arg4[%get3A_96, %get3A_97] : memref<32x256xf32, #tpu.memory_space<vmem>>, vector<32x256xf32>
      %get3A_99 = arith.constant 0 : index
      %get3A_100 = arith.constant 0 : index
      %get3A_101 = vector.load %arg5[%get3A_99, %get3A_100] : memref<256x256xf32, #tpu.memory_space<vmem>>, vector<256x256xf32>
      %dot_general3A_102 = arith.constant dense<0.000000e+00> : vector<32x256xf32>
      %dot_general3A_103 = tpu.matmul %get3A_98, %get3A_101, %dot_general3A_102 {dimension_numbers = #tpu.dot_dimension_numbers<[1], [0], [0], [1], [0, 0, 1, 1], [], []>, transpose_lhs_hint = false} : vector<32x256xf32>, vector<256x256xf32>, vector<32x256xf32> -> vector<32x256xf32>
      %get3A_104 = arith.constant 0 : index
      %get3A_105 = arith.constant 0 : index
      %get3A_106 = vector.load %arg6[%get3A_104, %get3A_105] : memref<8x256xf32, #tpu.memory_space<vmem>>, vector<1x256xf32>
      %mul3A_107 = vector.broadcast %slice3A_95 : vector<32x1xf32> to vector<32x256xf32>
      %mul3A_108 = vector.broadcast %get3A_106 : vector<1x256xf32> to vector<32x256xf32>
      %mul3A_109 = arith.mulf %mul3A_107, %mul3A_108 : vector<32x256xf32>
      %add3A_110 = arith.addf %dot_general3A_103, %mul3A_109 : vector<32x256xf32>
      %swap3A = arith.constant 0 : index
      %swap3A_111 = arith.constant 0 : index
      %swap3A_112 = vector.load %arg8[%swap3A, %swap3A_111] : memref<32x256xf32, #tpu.memory_space<vmem>>, vector<32x256xf32>
      tpu.vector_store %arg8[%swap3A, %swap3A_111], %add3A_110 {strides = array<i32>} : memref<32x256xf32, #tpu.memory_space<vmem>>, vector<32x256xf32>,
      %iota3A_113 = tpu.iota {dimensions = array<i32: 0>} : vector<8x128xi32>
      %iota3A_114 = tpu.iota {dimensions = array<i32: 1>} : vector<8x128xi32>
      %eq3A_115 = arith.constant 0 : i32
      %eq3A_116 = vector.broadcast %eq3A_115 : i32 to vector<8x128xi32>
      %eq3A_117 = arith.cmpi eq, %iota3A_113, %eq3A_116 : vector<8x128xi32>
      %eq3A_118 = arith.constant 0 : i32
      %eq3A_119 = vector.broadcast %eq3A_118 : i32 to vector<8x128xi32>
      %eq3A_120 = arith.cmpi eq, %iota3A_114, %eq3A_119 : vector<8x128xi32>
      %and3A_121 = arith.andi %eq3A_117, %eq3A_120 : vector<8x128xi1>
      %eq3A_122 = arith.constant 0 : i32
      %eq3A_123 = vector.broadcast %eq3A_122 : i32 to vector<8x128xi32>
      %eq3A_124 = arith.cmpi eq, %iota3A_113, %eq3A_123 : vector<8x128xi32>
      %eq3A_125 = arith.constant 1 : i32
      %eq3A_126 = vector.broadcast %eq3A_125 : i32 to vector<8x128xi32>
      %eq3A_127 = arith.cmpi eq, %iota3A_114, %eq3A_126 : vector<8x128xi32>
      %and3A_128 = arith.andi %eq3A_124, %eq3A_127 : vector<8x128xi1>
      %jit3A_129 = arith.constant 0.000000e+00 : f32
      %broadcast_in_dim3A_130 = vector.broadcast %sqrt3A : f32 to vector<8x128xf32>
      %broadcast_in_dim3A_131 = vector.broadcast %jit3A_129 : f32 to vector<8x128xf32>
      %select_n3A_132 = arith.select %and3A_128, %broadcast_in_dim3A_130, %broadcast_in_dim3A_131 : vector<8x128xi1>, vector<8x128xf32>
      %broadcast_in_dim3A_133 = vector.broadcast %div3A : f32 to vector<8x128xf32>
      %select_n3A_134 = arith.select %and3A_121, %broadcast_in_dim3A_133, %select_n3A_132 : vector<8x128xi1>, vector<8x128xf32>
      %swap3A_135 = arith.constant 0 : index
      %swap3A_136 = arith.constant 0 : index
      %swap3A_137 = vector.load %arg9[%swap3A_135, %swap3A_136] : memref<8x128xf32, #tpu.memory_space<vmem>>, vector<8x128xf32>
      tpu.vector_store %arg9[%swap3A_135, %swap3A_136], %select_n3A_134 {strides = array<i32>} : memref<8x128xf32, #tpu.memory_space<vmem>>, vector<8x128xf32>,
    } else {
    }
    return
  }
  func.func @transform_0(%arg0: i32) -> (i32, i32) {
    %c0_i32 = arith.constant 0 : i32
    %c0_i32_0 = arith.constant 0 : i32
    return %arg0, %c0_i32 : i32, i32
  }
  func.func @transform_1(%arg0: i32) -> (i32, i32, i32) {
    %jit3A = arith.constant 5 : i32
    %div3A = arith.divsi %arg0, %jit3A : i32
    %sign3A = arith.constant 0 : i32
    %sign3A_0 = arith.cmpi sgt, %arg0, %sign3A : i32
    %sign3A_1 = arith.extui %sign3A_0 : i1 to i32
    %sign3A_2 = arith.constant 0 : i32
    %sign3A_3 = arith.cmpi slt, %arg0, %sign3A_2 : i32
    %sign3A_4 = arith.extui %sign3A_3 : i1 to i32
    %sign3A_5 = arith.subi %sign3A_1, %sign3A_4 : i32
    %sign3A_6 = arith.constant 0 : i32
    %sign3A_7 = arith.cmpi sgt, %jit3A, %sign3A_6 : i32
    %sign3A_8 = arith.extui %sign3A_7 : i1 to i32
    %sign3A_9 = arith.constant 0 : i32
    %sign3A_10 = arith.cmpi slt, %jit3A, %sign3A_9 : i32
    %sign3A_11 = arith.extui %sign3A_10 : i1 to i32
    %sign3A_12 = arith.subi %sign3A_8, %sign3A_11 : i32
    %ne3A = arith.cmpi ne, %sign3A_5, %sign3A_12 : i32
    %rem3A = arith.remsi %arg0, %jit3A : i32
    %ne3A_13 = arith.constant 0 : i32
    %ne3A_14 = arith.cmpi ne, %rem3A, %ne3A_13 : i32
    %and3A = arith.andi %ne3A, %ne3A_14 : i1
    %sub3A = arith.constant 1 : i32
    %sub3A_15 = arith.subi %div3A, %sub3A : i32
    %select_n3A = arith.select %and3A, %sub3A_15, %div3A : i32
    %jit3A_16 = arith.constant 5 : i32
    %eq3A = arith.constant 0 : i32
    %eq3A_17 = arith.cmpi eq, %jit3A_16, %eq3A : i32
    %jit3A_18 = arith.constant 1 : i32
    %select_n3A_19 = arith.select %eq3A_17, %jit3A_18, %jit3A_16 : i32
    %rem3A_20 = arith.remsi %arg0, %select_n3A_19 : i32
    %ne3A_21 = arith.constant 0 : i32
    %ne3A_22 = arith.cmpi ne, %rem3A_20, %ne3A_21 : i32
    %lt3A = arith.constant 0 : i32
    %lt3A_23 = arith.cmpi slt, %rem3A_20, %lt3A : i32
    %lt3A_24 = arith.constant 0 : i32
    %lt3A_25 = arith.cmpi slt, %select_n3A_19, %lt3A_24 : i32
    %ne3A_26 = arith.xori %lt3A_23, %lt3A_25 : i1
    %and3A_27 = arith.andi %ne3A_26, %ne3A_22 : i1
    %add3A = arith.addi %rem3A_20, %select_n3A_19 : i32
    %select_n3A_28 = arith.select %and3A_27, %add3A, %rem3A_20 : i32
    %c0_i32 = arith.constant 0 : i32
    %c0_i32_29 = arith.constant 0 : i32
    return %select_n3A, %select_n3A_28, %c0_i32 : i32, i32, i32
  }
  func.func @transform_2(%arg0: i32) -> (i32, i32) {
    %c0_i32 = arith.constant 0 : i32
    %c0_i32_0 = arith.constant 0 : i32
    %c0_i32_1 = arith.constant 0 : i32
    return %c0_i32, %c0_i32_0 : i32, i32
  }
  func.func @transform_3(%arg0: i32) -> (i32, i32) {
    %c0_i32 = arith.constant 0 : i32
    %c0_i32_0 = arith.constant 0 : i32
    %c0_i32_1 = arith.constant 0 : i32
    return %c0_i32, %c0_i32_0 : i32, i32
  }
  func.func @transform_4(%arg0: i32) -> (i32, i32) {
    %c0_i32 = arith.constant 0 : i32
    %c0_i32_0 = arith.constant 0 : i32
    %c0_i32_1 = arith.constant 0 : i32
    return %c0_i32, %c0_i32_0 : i32, i32
  }
  func.func @transform_5(%arg0: i32) -> (i32, i32) {
    %c0_i32 = arith.constant 0 : i32
    %c0_i32_0 = arith.constant 0 : i32
    %c0_i32_1 = arith.constant 0 : i32
    return %c0_i32, %c0_i32_0 : i32, i32
  }
  func.func @transform_6(%arg0: i32) -> (i32, i32) {
    %c0_i32 = arith.constant 0 : i32
    %c0_i32_0 = arith.constant 0 : i32
    %c0_i32_1 = arith.constant 0 : i32
    return %c0_i32, %c0_i32_0 : i32, i32
  }
  func.func @transform_7(%arg0: i32) -> (i32, i32) {
    %c0_i32 = arith.constant 0 : i32
    %c0_i32_0 = arith.constant 0 : i32
    %c0_i32_1 = arith.constant 0 : i32
    return %c0_i32, %c0_i32_0 : i32, i32
  }
  func.func @transform_8(%arg0: i32) -> (i32, i32) {
    %c0_i32 = arith.constant 0 : i32
    %c0_i32_0 = arith.constant 0 : i32
    %c0_i32_1 = arith.constant 0 : i32
    return %c0_i32, %c0_i32_0 : i32, i32
  }
}

</mosaic_0001>

<sc_bundles>
// kernel: kernel.6.cloned.1.call-start
scs
__scs_entry_jumppad:
0x0: {  	(pc) =	sbr.rel $0x88, $3  }
0x1: {  	(tag) =	ssettag $0x0;
	lr =	simm.s32 $0x1  }
0x2: {  	[smem:$0x3F9B] =	sst lr;
	_ =	strace $0xD0000000  }
0x3: {  	_ = 	snop  }
0x4: {  	_ = 	snop  }
0x5: {  	_ = 	snop  }
0x6: {  	_ = 	snop  }
0x7: {  	_ = 	snop  }
__scs_overlays_trampoline_lowered:
0x8: {  	[smem:$0x3FAA] =	sst s0  }
0x9: {  	[smem:$0x3FAB] =	sst s1  }
0xa: {  	[smem:$0x3FAC] =	sst s2  }
0xb: {  	[smem:$0x3FAD] =	sst s3  }
0xc: {  	[smem:$0x3FAE] =	sst s4  }
0xd: {  	[smem:$0x3FAF] =	sst s5  }
0xe: {  	[smem:$0x3FB0] =	sst s6  }
0xf: {  	[smem:$0x3FB1] =	sst s7  }
0x10: {  	[smem:$0x3FB2] =	sst s8  }
0x11: {  	[smem:$0x3FB3] =	sst s9;
	s0 =	simm.s32 @!p0 $0x0  }
0x12: {  	s1 =	sld [smem:$0x3F99];
	s0 =	simm.s32 @p0 $0x1  }
0x13: {  	[smem:$0x3FB4] =	sst s0;
	s0 =	simm.s32 @!p1 $0x0  }
0x14: {  	s2 =	sld [smem:$0x3F98];
	s0 =	simm.s32 @p1 $0x1  }
0x15: {  	[smem:$0x3FB5] =	sst s0;
	s0 =	simm.s32 @!p2 $0x0  }
0x16: {  	s3 =	sld [smem:$0x3FDB];
	s0 =	simm.s32 @p2 $0x1  }
0x17: {  	s4 =	simm.s32 $0x1BF5;
	[smem:$0x3FB7] =	sst s0  }
0x18: {  	s0 =	sld [smem:$0x3F9A];
	_ =	swait.ge [sflag:s4], $0x0  }
0x19: {  	s7 =	sld [smem:$0x3F9B]  }
0x1a: {  	s8 =	sadd.s32 $0xFFFFE003, lr  }
0x1b: {  	s9 =	sadd.s32 $0xFFFFFEF7, lr;
	s5 =	simm.s32 $0xFFFFFFFF;
	p2 =	slt.u32 s8, $0xFFFFF086  }
0x1c: {  	p1 =	slt.u32 s9, $0xF7A;
	s5 =	simm.s32 @!p2 $0x0  }
0x1d: {  	s5 =	simm.s32 @p1 $0x1;
	p0 =	seq.s32 s7, s2  }
0x1e: {  	s7 =	smul.u32 @!p0 $0xF7A, s2;
	p2 =	seq.s32 @!p0 s5, $0x0  }
0x1f: {  	s9 =	smul.u32 $0xF7A, s1;
	s8 =	simm.s32 @!p0 $0x1BF5;
	p2 =	por !p2, p0  }
0x20: {  	[sflag:s8] =	ssyncset.s32 @!p0 $0xFFFFF086;
	s6 =	sadd.s32 @!p0 s3, s7;
	s7 =	simm.s32 @!p0 $0x108  }
0x21: {  	s3 =	sadd.s32 s3, s9;
	s6 =	sadd.s32 @!p0 $0x88, s6;
	s7 =	simm.s32 @p2 $0x1082  }
0x22: {  	[simem:s7], [sflag:s8] =	dma.local @!p0 [hbm:s6], $0xF7A  }
0x23: {  	s9 =	sor.u32 $0xD0000000, s2;
	s6 =	simm.s32 $0x108;
	_ =	swait.ge @!p0 [sflag:s8], $0x0  }
0x24: {  	s3 =	sadd.s32 $0x88, s3;
	s6 =	simm.s32 @!p1 $0x1082;
	[sflag:s4] =	ssyncset.s32 $0xFFFFF086  }
0x25: {  	[simem:s6], [sflag:s4] =	dma.local [hbm:s3], $0xF7A  }
0x26: {  	[smem:$0x3F9B] =	sst s1;
	(tag) =	ssettag s2;
	_ =	strace s9  }
0x27: {  	s1 =	sld [smem:$0x3FAB]  }
0x28: {  	s2 =	sld [smem:$0x3FAC]  }
0x29: {  	s4 =	sld [smem:$0x3FAE]  }
0x2a: {  	p0 =	seq.s32 s5, $0x0;
	s5 =	sld [smem:$0x3FAF]  }
0x2b: {  	s6 =	sld [smem:$0x3FB0]  }
0x2c: {  	s7 =	sld [smem:$0x3FB1]  }
0x2d: {  	s3 =	simm.s32 $0x108;
	s8 =	sld [smem:$0x3FB2]  }
0x2e: {  	s3 =	simm.s32 @!p0 $0x1082;
	s9 =	sld [smem:$0x3FB3]  }
0x2f: {  	lr =	sadd.s32 s0, s3;
	s0 =	sld [smem:$0x3FAA]  }
0x30: {  	s3 =	sld [smem:$0x3FAD]  }
0x31: {  	[smem:$0x3FB6] =	sst s10  }
0x32: {  	s10 =	sld [smem:$0x3FB4];
	_ =	sdelay $0x3  }
0x33: {  	p0 =	seq.s32 s10, $0x1;
	s10 =	sld [smem:$0x3FB6];
	_ =	sdelay $0x3  }
0x34: {  	[smem:$0x3FB6] =	sst s10  }
0x35: {  	s10 =	sld [smem:$0x3FB5];
	_ =	sdelay $0x3  }
0x36: {  	p1 =	seq.s32 s10, $0x1;
	s10 =	sld [smem:$0x3FB6];
	_ =	sdelay $0x3  }
0x37: {  	[smem:$0x3FB6] =	sst s10  }
0x38: {  	s10 =	sld [smem:$0x3FB7]  }
0x39: {  	_ = 	snop;
	(pc) =	sbr.ind lr, $3  }
0x3a: {  	_ = 	snop  }
0x3b: {  	_ = 	snop  }
0x3c: {  	p2 =	seq.s32 s10, $0x1;
	s10 =	sld [smem:$0x3FB6]  }
0x3d: {  	_ =	shalt  }
0x3e: {  	_ =	shalt  }
0x3f: {  	_ =	shalt  }
0x40: {  	_ =	shalt  }
0x41: {  	_ =	shalt  }
0x42: {  	_ =	shalt  }
0x43: {  	_ =	shalt  }
0x44: {  	_ =	shalt  }
0x45: {  	_ =	shalt  }
0x46: {  	_ =	shalt  }
0x47: {  	_ =	shalt  }
0x48: {  	_ =	shalt  }
0x49: {  	_ =	shalt  }
0x4a: {  	_ =	shalt  }
0x4b: {  	_ =	shalt  }
0x4c: {  	_ =	shalt  }
0x4d: {  	_ =	shalt  }
0x4e: {  	_ =	shalt  }
0x4f: {  	_ =	shalt  }
0x50: {  	_ =	shalt  }
0x51: {  	_ =	shalt  }
0x52: {  	_ =	shalt  }
0x53: {  	_ =	shalt  }
0x54: {  	_ =	shalt  }
0x55: {  	_ =	shalt  }
0x56: {  	_ =	shalt  }
0x57: {  	_ =	shalt  }
0x58: {  	_ =	shalt  }
0x59: {  	_ =	shalt  }
0x5a: {  	_ =	shalt  }
0x5b: {  	_ =	shalt  }
0x5c: {  	_ =	shalt  }
0x5d: {  	_ =	shalt  }
0x5e: {  	_ =	shalt  }
0x5f: {  	_ =	shalt  }
0x60: {  	_ =	shalt  }
0x61: {  	_ =	shalt  }
0x62: {  	_ =	shalt  }
0x63: {  	_ =	shalt  }
0x64: {  	_ =	shalt  }
0x65: {  	_ =	shalt  }
0x66: {  	_ =	shalt  }
0x67: {  	_ =	shalt  }
0x68: {  	_ =	shalt  }
0x69: {  	_ =	shalt  }
0x6a: {  	_ =	shalt  }
0x6b: {  	_ =	shalt  }
0x6c: {  	_ =	shalt  }
0x6d: {  	_ =	shalt  }
0x6e: {  	_ =	shalt  }
0x6f: {  	_ =	shalt  }
0x70: {  	_ =	shalt  }
0x71: {  	_ =	shalt  }
0x72: {  	_ =	shalt  }
0x73: {  	_ =	shalt  }
0x74: {  	_ =	shalt  }
0x75: {  	_ =	shalt  }
0x76: {  	_ =	shalt  }
0x77: {  	_ =	shalt  }
0x78: {  	_ =	shalt  }
0x79: {  	_ =	shalt  }
0x7a: {  	_ =	shalt  }
0x7b: {  	_ =	shalt  }
0x7c: {  	_ =	shalt  }
0x7d: {  	_ =	shalt  }
0x7e: {  	_ =	shalt  }
0x7f: {  	_ =	shalt  }
0x80: {  	_ =	shalt  }
0x81: {  	_ =	shalt  }
0x82: {  	_ =	shalt  }
0x83: {  	_ =	shalt  }
0x84: {  	_ =	shalt  }
0x85: {  	_ =	shalt  }
0x86: {  	_ =	shalt  }
0x87: {  	_ =	shalt  }
.Lfunc_end0:
.L_simem_size_0:
called_computation_lowered:
.L_overlay_start_0:
0x88: {  	s2 =	sld [smem:$0x3FD9]  }
0x89: {  	s3 =	sld [smem:$0x3FFE];
	_ =	sdelay $0x1  }
0x8a: {  	s1 =	srdreg.scid  }
0x8b: {  	s0 =	sand.u32 $0x1, s1  }
0x8c: {  	s16 =	sshll.u32 s0, $0xA;
	s2 =	sadd.s32 s3, s2  }
0x8d: {  	s2 =	sadd.s32 s2, s16  }
0x8e: {  	[smem:$0x3FC2] =	sst s2  }
0x8f: {  	_ = 	snop  }
0x90: {  	(tm) =	ssettm $0x1  }
0x91: {  	s17 =	sld [smem:$0x3FFB];
	_ =	sdelay $0x3  }
0x92: {  	_ =	strace s17  }
0x93: {  	s2 =	sld [smem:$0x3FFC];
	_ =	sdelay $0x3  }
0x94: {  	_ =	strace s2  }
0x95: {  	s2 =	sld [smem:$0x3FFD];
	_ =	sdelay $0x3  }
0x96: {  	_ =	strace s2  }
0x97: {  	_ =	strace $0x8FFFFFFF  }
0x98: {  	s18 =	sld [smem:$0x3FDB];
	_ =	sdelay $0x1  }
0x99: {  	s19 =	simm.s32 $_scs_section_size  }
0x9a: {  	s4 =	simm.s32 $_size__tile_overlayer_lowered;
	s5 =	simm.s32 $_tile_overlayer_lowered  }
0x9b: {  	s22 =	simm.s32 $0x1BFF;
	s21 =	sshll.u32 s5, $0x1;
	s2 =	sadd.s32 s19, s18  }
0x9c: {  	s6 =	simm.s32 $0x0;
	s20 =	sshll.u32 s4, $0x1;
	s4 =	sadd.s32 s21, s2  }
0x9d: {  	[timem:s6], [sflag:s22] =	dma.local [hbm:s4], s20  }
0x9e: {  	_ =	swait.ge [sflag:s22], s20  }
0x9f: {  	s3 =	ssub.s32 $0x0, s20;
	[sflag:s22] =	ssyncset.done $0x0  }
0xa0: {  	[sflag:s22] =	ssyncadd.s32 s3;
	_ =	sdelay $0x1  }
0xa1: {  	s23 =	simm.s32 $0x1B8B  }
0xa2: {  	_ =	swait.ge [sflag:s23], $0x1  }
0xa3: {  	[sflag:s23] =	ssyncset.done $0x0  }
0xa4: {  	s25 =	simm.s32 $0x1B8E;
	s24 =	sld [smem:$0x3FFE];
	[sflag:s23] =	ssyncadd.s32 $0xFFFFFFFF  }
0xa5: {  	s26 =	simm.s32 $execute0_lowered;
	[smem:$0x3FD2] =	sst s25  }
0xa6: {  	s4 =	sshll.u32 s26, $0x1;
	_ =	strace $0x80000046;
	[dreg:$0x1] =	wrdreg $0xFFFFFFFF  }
0xa7: {  	s28 =	simm.s32 $_size_execute0_lowered;
	s2 =	sadd.s32 s2, s4;
	[dreg:$0x0] =	wrdreg $0x0  }
0xa8: {  	s4 =	sshll.u32 s28, $0x1;
	[dreg:$0x2] =	wrdreg s2  }
0xa9: {  	[dreg:$0x3] =	wrdreg s4  }
0xaa: {  	[dreg:$0x4] =	wrdreg $0xC0  }
0xab: {  	_ =	task [dreg:s6], $0x5FFFF  }
0xac: {  	[dreg:$0x1] =	wrdreg $0xFFFFFFFF  }
0xad: {  	[dreg:$0x0] =	wrdreg $0x60  }
0xae: {  	[dreg:$0x2] =	wrdreg s24  }
0xaf: {  	[dreg:$0x3] =	wrdreg $0x14A000  }
0xb0: {  	[dreg:$0x4] =	wrdreg $0x9  }
0xb1: {  	_ =	task.clear_ibuf [dreg:s6], $0x5FFFF;
	_ =	strace $0x90000046  }
0xb2: {  	s29 =	simm.s32 $0x9;
	_ =	strace $0x80000048  }
0xb3: {  	_ =	swait.ge [sflag:s29], $0x1  }
0xb4: {  	[sflag:s29] =	ssyncadd.s32 $0xFFFFFFFF  }
0xb5: {  	_ =	strace $0x90000048  }
0xb6: {  	_ =	sfence  }
0xb7: {  	s30 =	sld [smem:$0x0];
	_ =	sdelay $0x2  }
0xb8: {  	s31 =	sshll.u32 s1, $0xD;
	s1 =	sshrl.u32 s1, $0x2  }
0xb9: {  	s3 =	sand.u32 $0x4000, s31;
	s1 =	sadd.s32 s1, s30  }
0xba: {  	s0 =	sor.u32 s3, s0;
	s1 =	sshll.u32 s1, $0x11  }
0xbb: {  	s0 =	sor.u32 s1, s0  }
0xbc: {  	s0 =	sadd.s32 $0x8F2B, s0  }
0xbd: {  	[sflag:s0] =	ssyncadd.remote.s32 $0x1  }
0xbe: {  	_ =	sfence.sel $0xFFFF  }
0xbf: {  	[dreg:$0x0] =	wrdreg $0xFFFFFFFF;
	(pc) =	sbr.abs _section_cstart, $3  }
0xc0: {  	[dreg:$0x1] =	wrdreg $0xFFFFFFFF  }
0xc1: {  	_ =	task.clear_ibuf [dreg:s6], $0x2FFFF;
	_ =	strace $0x9FFFFFFF  }
0xc2: {  	(tm) =	ssettm $0x7FFFFFFF  }
0xc3: {  	_ =	shalt  }
tec
execute0_lowered:
.L_overlay_start_1:
0x0: {  	(tag) =	ssettag $0x1  }
0x1: {  	s0 =	rddreg [dreg:$0x0]  }
0x2: {  	s1 =	rddreg [dreg:$0x1];
	s3 =	srdreg.scid  }
0x3: {  	s2 =	simm.s32 $0x0;
	s19 =	simm.s32 $0x500;
	s7 =	sand.u32 $0x1, s3  }
0x4: {  	s28 =	simm.s32 $0x4;
	s3 =	stileid.u32;
	s8 =	smul.u32 $0x27100, s7  }
0x5: {  	s30 =	simm.s32 $0x0;
	[smem:$0x7FF] =	sst s2;
	s10 =	smul.u32 $0x280, s3  }
0x6: {  	s4 =	sadd.s32 $0x2000, s0;
	s5 =	sadd.s32 $0x29200, s0;
	s20 =	smul.u32 $0x28000, s3  }
0x7: {  	s6 =	sadd.s32 $0x37E00, s0;
	s0 =	sadd.s32 $0x39200, s0;
	s14 =	smul.u32 $0x9C400, s7  }
0x8: {  	_ =	strace $0x80000047;
	s9 =	ssub.s32 $0x2, s7;
	s12 =	smul.u32 $0xA000, s3  }
0x9: {  	s26 =	smul.u32 $0x50, s3;
	s31 =	sor.u32 $0xE0, s3;
	s11 =	sshrl.u32 s9, $0x1  }
0xa: {  	p0 =	seq.s32 s3, $0xF;
	p1 =	sgt.u32 s31, $0xE9;
	s13 =	ssub.s32 s9, s11  }
0xb: {  	s8 =	sadd.s32 s10, s8;
	s10 =	sshrl.u32 s10, $0x3;
	s11 =	sshrl.u32 s20, $0x2  }
0xc: {  	s15 =	sadd.s32 s12, s14;
	s12 =	sadd.s32 $0x96000, s1;
	s14 =	sshrl.u32 s14, $0x3  }
0xd: {  	s16 =	sadd.s32 s26, s5;
	s20 =	simm.s32 $0x280;
	s26 =	simm.s32 $0x2  }
0xe: {  	s21 =	sshrl.u32 s8, $0x3;
	s10 =	sadd.s32 s5, s10;
	s11 =	sadd.s32 s11, s1  }
0xf: {  	s15 =	sshrl.u32 s15, $0x3;
	s29 =	sadd.s32 $0x7800, s8;
	s18 =	sadd.s32 $0x5000, s8  }
0x10: {  	s7 =	sadd.s32 s5, s21;
	s22 =	sadd.s32 $0x9C40, s10;
	s24 =	sadd.s32 $0xA140, s10  }
0x11: {  	s25 =	sadd.s32 s0, s15;
	s0 =	sadd.s32 s0, s14;
	[dreg:$0x3] =	wrdreg s22  }
.Ltmp0:
0x12: {  	s15 =	smax.u32 s13, $0x1;
	[dreg:$0x5] =	wrdreg s24;
	(pc) =	sbr.rel .LBB2_1-.Ltmp0, $4  }
0x13: {  	s21 =	simm.s32 $0x780;
	s23 =	sadd.s32 $0x500, s7;
	[dreg:$0x6] =	wrdreg s25  }
0x14: {  	s0 =	sadd.s32 $0x12C00, s0;
	s22 =	simm.s32 $0x1;
	s24 =	simm.s32 $0xA00  }
0x15: {  	s25 =	simm.s32 $0x5;
	[dreg:$0x7] =	wrdreg s0;
	s0 =	sshrl.u32 s29, $0x3  }
0x16: {  	[dreg:$0x4] =	wrdreg s23;
	s23 =	simm.s32 $0x3;
	s17 =	sadd.s32 s0, s5  }
.LBB2_7:
0x17: {  	s0 =	sshrl.u32 s12, $0x3;
	s8 =	rddreg [dreg:$0x7];
	s9 =	simm.s32 $0x1FC5  }
0x18: {  	[hbm:s8], [sflag:s9] =	dma.local [spmem:s0], $0xC80  }
0x19: {  	_ =	swait.ge [sflag:s25], $0xC80  }
0x1a: {  	[sflag:s25] =	ssyncset.done $0x0  }
0x1b: {  	[sflag:s25] =	ssyncadd.s32 $0xFFFFF380  }
.LBB2_8:
0x1c: {  	s30 =	sadd.s32 $0x1, s30  }
0x1d: {  	p2 =	sne.s32 s30, s15  }
.Ltmp1:
0x1e: {  	_ = 	snop;
	(pc) =	sbr.rel @!p2 .LBB2_9-.Ltmp1, $1  }
0x1f: {  	_ =	sdelay $0x3  }
.LBB2_1:
0x20: {  	[tilespmem:s2], [sflag:$0x1] =	stream.linear.gather [hbm4b:s7+s2], $0x280, $0x38;
	[tilespmem:$0x1E680] =	vst v63  }
0x21: {  	s0 =	rddreg [dreg:$0x3]  }
0x22: {  	[tilespmem:s19], [sflag:$0x3] =	stream.linear.gather [hbm4b:s0+s2], $0x280, $0x38;
	[tilespmem:$0x1E680] =	vst v63  }
0x23: {  	s8 =	rddreg [dreg:$0x4]  }
0x24: {  	[tilespmem:s20], [sflag:$0x2] =	stream.linear.gather [hbm4b:s8+s2], $0x280, $0x38;
	[tilespmem:$0x1E680] =	vst v63  }
0x25: {  	s9 =	rddreg [dreg:$0x5];
	s0 =	sshrl.u32 @p0 s12, $0x3;
	s8 =	simm.s32 @p0 $0x1FC5  }
0x26: {  	[tilespmem:s21], [sflag:$0x4] =	stream.linear.gather [hbm4b:s9+s2], $0x280, $0x38;
	[tilespmem:$0x1E680] =	vst v63  }
0x27: {  	[spmem:s0], [sflag:s8] =	dma.local @p0 [hbm:s6], $0xD00  }
0x28: {  	s0 =	simm.s32 @p0 $0x5  }
0x29: {  	_ =	swait.ge @p0 [sflag:s0], $0xD00  }
0x2a: {  	s8 =	sshll.u32 @!p0 s3, $0x6;
	[sflag:s0] =	ssyncset.done @p0 $0x0  }
0x2b: {  	[sflag:s0] =	ssyncadd.s32 @p0 $0xFFFFF300;
	s0 =	sor.u32 @!p0 $0x1C05, s8;
	s8 =	sshrl.u32 @!p0 s11, $0x3  }
0x2c: {  	[spmem:s8], [sflag:s0] =	dma.local @!p0 [hbm:s6], $0x1400  }
0x2d: {  	s0 =	simm.s32 @!p0 $0x5  }
0x2e: {  	_ =	swait.ge @!p0 [sflag:s0], $0x1400  }
0x2f: {  	[sflag:s0] =	ssyncset.done @!p0 $0x0  }
0x30: {  	[sflag:s0] =	ssyncadd.s32 @!p0 $0xFFFFEC00  }
0x31: {  	[bflag:$0x0] =	sbarrier.arrive $0xFFFF  }
0x32: {  	_ =	swait.ge [sflag:s22], $0x280  }
0x33: {  	[sflag:s22] =	ssyncset.done $0x0  }
0x34: {  	[sflag:s22] =	ssyncadd.s32 $0xFFFFFD80  }
0x35: {  	_ =	swait.ge [sflag:s23], $0x280  }
0x36: {  	[sflag:s23] =	ssyncset.done $0x0  }
0x37: {  	[sflag:s23] =	ssyncadd.s32 $0xFFFFFD80  }
0x38: {  	[tilespmem:s24], [sflag:$0x5] =	stream.indirect.gather [hbm4b:s4+s20], $0x80, s19, s20, $0xb8;
	[tilespmem:$0x1E680] =	vst v63  }
0x39: {  	_ =	swait.ge [sflag:s25], $0x14000  }
0x3a: {  	[sflag:s25] =	ssyncset.done $0x0  }
0x3b: {  	[sflag:s25] =	ssyncadd.s32 $0xFFFEC000  }
0x3c: {  	[spmem:s1] =	stream.indirect.scatter.add.f32 [tilespmem:s24], [sflag:$0x5], $0x80, s2, s20, $0xb8;
	[tilespmem:$0x1E680] =	vst v63  }
0x3d: {  	_ =	swait.ge [sflag:s25], $0x14000  }
0x3e: {  	s10 =	sshrl.u32 s18, $0x3;
	[sflag:s25] =	ssyncset.done $0x0  }
0x3f: {  	s13 =	sadd.s32 $0x0, s16;
	s0 =	sadd.s32 s5, s10;
	[sflag:s25] =	ssyncadd.s32 $0xFFFEC000  }
0x40: {  	[tilespmem:s2], [sflag:$0x1] =	stream.linear.gather [hbm4b:s0+s2], $0x280, $0x38;
	[tilespmem:$0x1E680] =	vst v63  }
0x41: {  	s14 =	sadd.s32 $0xA640, s13  }
0x42: {  	[tilespmem:s19], [sflag:$0x3] =	stream.linear.gather [hbm4b:s14+s2], $0x280, $0x38;
	[tilespmem:$0x1E680] =	vst v63  }
0x43: {  	_ =	swait.ge [sflag:s26], $0x280  }
0x44: {  	[sflag:s26] =	ssyncset.done $0x0  }
0x45: {  	[sflag:s26] =	ssyncadd.s32 $0xFFFFFD80  }
0x46: {  	_ =	swait.ge [sflag:s28], $0x280  }
0x47: {  	[sflag:s28] =	ssyncset.done $0x0  }
0x48: {  	[sflag:s28] =	ssyncadd.s32 $0xFFFFFD80  }
0x49: {  	[tilespmem:s24], [sflag:$0x5] =	stream.indirect.gather [hbm4b:s4+s20], $0x80, s21, s20, $0xb8;
	[tilespmem:$0x1E680] =	vst v63  }
0x4a: {  	_ =	swait.ge [sflag:s25], $0x14000  }
0x4b: {  	[sflag:s25] =	ssyncset.done $0x0  }
0x4c: {  	[sflag:s25] =	ssyncadd.s32 $0xFFFEC000  }
0x4d: {  	[spmem:s1] =	stream.indirect.scatter.add.f32 [tilespmem:s24], [sflag:$0x5], $0x80, s20, s20, $0xb8;
	[tilespmem:$0x1E680] =	vst v63  }
0x4e: {  	p3 =	sgt.u32 s3, $0xC9;
	s31 =	simm.s32 $0xA00;
	_ =	swait.ge [sflag:s25], $0x14000  }
0x4f: {  	s29 =	stileid.u32;
	s13 =	simm.s32 @!p3 $0x0;
	[sflag:s25] =	ssyncset.done $0x0  }
0x50: {  	s8 =	simm.s32 @!p3 $0x280;
	s0 =	sadd.s32 @!p3 $0x0, s17;
	[sflag:s25] =	ssyncadd.s32 $0xFFFEC000  }
0x51: {  	[tilespmem:s8], [sflag:$0x2] =	stream.linear.gather @!p3 [hbm4b:s0+s13], $0x280, $0x38;
	[tilespmem:$0x1E680] =	vst v63  }
0x52: {  	s14 =	sadd.s32 @!p3 $0x0, s16;
	s0 =	sadd.s32 $0x5000, s18;
	s8 =	simm.s32 @!p3 $0x780  }
.LBB2_2:
0x53: {  	s9 =	sadd.s32 @!p3 $0xAB40, s14  }
0x54: {  	s29 =	sadd.s32 $0x20, s29;
	s14 =	smov.u32 s31;
	s31 =	sadd.s32 $0xA00, s31  }
0x55: {  	[tilespmem:s8], [sflag:$0x4] =	stream.linear.gather @!p3 [hbm4b:s9+s13], $0x280, $0x38;
	[tilespmem:$0x1E680] =	vst v63  }
0x56: {  	p2 =	sne.s32 s31, $0x4600;
	_ =	swait.ge [sflag:s22], $0x280  }
0x57: {  	[sflag:s22] =	ssyncset.done $0x0  }
0x58: {  	[sflag:s22] =	ssyncadd.s32 $0xFFFFFD80  }
0x59: {  	_ =	swait.ge [sflag:s23], $0x280  }
0x5a: {  	[sflag:s23] =	ssyncset.done $0x0  }
0x5b: {  	[sflag:s23] =	ssyncadd.s32 $0xFFFFFD80  }
0x5c: {  	[tilespmem:s24], [sflag:$0x5] =	stream.indirect.gather [hbm4b:s4+s20], $0x80, s19, s20, $0xb8;
	[tilespmem:$0x1E680] =	vst v63  }
0x5d: {  	_ =	swait.ge [sflag:s25], $0x14000  }
0x5e: {  	[sflag:s25] =	ssyncset.done $0x0  }
0x5f: {  	[sflag:s25] =	ssyncadd.s32 $0xFFFEC000  }
0x60: {  	[spmem:s1] =	stream.indirect.scatter.add.f32 [tilespmem:s24], [sflag:$0x5], $0x80, s2, s20, $0xb8;
	[tilespmem:$0x1E680] =	vst v63  }
0x61: {  	_ =	swait.ge [sflag:s25], $0x14000  }
0x62: {  	s8 =	sshrl.u32 s0, $0x3;
	[sflag:s25] =	ssyncset.done $0x0  }
0x63: {  	s9 =	sadd.s32 s14, s16;
	s8 =	sadd.s32 s5, s8;
	[sflag:s25] =	ssyncadd.s32 $0xFFFEC000  }
0x64: {  	[tilespmem:s2], [sflag:$0x1] =	stream.linear.gather [hbm4b:s8+s2], $0x280, $0x38;
	[tilespmem:$0x1E680] =	vst v63  }
0x65: {  	s8 =	sadd.s32 $0xA640, s9  }
0x66: {  	[tilespmem:s19], [sflag:$0x3] =	stream.linear.gather [hbm4b:s8+s2], $0x280, $0x38;
	[tilespmem:$0x1E680] =	vst v63  }
0x67: {  	_ =	swait.ge [sflag:s26], $0x280  }
0x68: {  	[sflag:s26] =	ssyncset.done $0x0  }
0x69: {  	[sflag:s26] =	ssyncadd.s32 $0xFFFFFD80  }
0x6a: {  	_ =	swait.ge [sflag:s28], $0x280  }
0x6b: {  	[sflag:s28] =	ssyncset.done $0x0  }
0x6c: {  	[sflag:s28] =	ssyncadd.s32 $0xFFFFFD80  }
0x6d: {  	[tilespmem:s24], [sflag:$0x5] =	stream.indirect.gather [hbm4b:s4+s20], $0x80, s21, s20, $0xb8;
	[tilespmem:$0x1E680] =	vst v63  }
0x6e: {  	_ =	swait.ge [sflag:s25], $0x14000  }
0x6f: {  	[sflag:s25] =	ssyncset.done $0x0  }
0x70: {  	[sflag:s25] =	ssyncadd.s32 $0xFFFEC000  }
0x71: {  	[spmem:s1] =	stream.indirect.scatter.add.f32 [tilespmem:s24], [sflag:$0x5], $0x80, s20, s20, $0xb8;
	[tilespmem:$0x1E680] =	vst v63  }
.Ltmp2:
0x72: {  	_ =	swait.ge [sflag:s25], $0x14000;
	(pc) =	sbr.rel @p2 .LBB2_2-.Ltmp2, $4  }
0x73: {  	p3 =	sgt.u32 s29, $0xC9;
	s0 =	sadd.s32 $0x5000, s0;
	[sflag:s25] =	ssyncset.done $0x0  }
0x74: {  	s13 =	simm.s32 @!p3 $0x0;
	s9 =	sadd.s32 @!p3 s14, s17;
	[sflag:s25] =	ssyncadd.s32 $0xFFFEC000  }
0x75: {  	s10 =	simm.s32 @!p3 $0x280;
	s14 =	sadd.s32 @!p3 s14, s16;
	s8 =	simm.s32 @!p3 $0x780  }
0x76: {  	[tilespmem:s10], [sflag:$0x2] =	stream.linear.gather @!p3 [hbm4b:s9+s13], $0x280, $0x38;
	[tilespmem:$0x1E680] =	vst v63  }
0x77: {  	s0 =	sadd.s32 @!p3 $0xAB40, s14  }
0x78: {  	[tilespmem:s8], [sflag:$0x4] =	stream.linear.gather @!p3 [hbm4b:s0+s13], $0x280, $0x38;
	[tilespmem:$0x1E680] =	vst v63  }
0x79: {  	_ =	swait.ge [sflag:s22], $0x280  }
0x7a: {  	[sflag:s22] =	ssyncset.done $0x0  }
0x7b: {  	[sflag:s22] =	ssyncadd.s32 $0xFFFFFD80  }
0x7c: {  	_ =	swait.ge [sflag:s23], $0x280  }
0x7d: {  	[sflag:s23] =	ssyncset.done $0x0  }
0x7e: {  	[sflag:s23] =	ssyncadd.s32 $0xFFFFFD80  }
0x7f: {  	[tilespmem:s24], [sflag:$0x5] =	stream.indirect.gather [hbm4b:s4+s20], $0x80, s19, s20, $0xb8;
	[tilespmem:$0x1E680] =	vst v63  }
0x80: {  	_ =	swait.ge [sflag:s25], $0x14000  }
0x81: {  	[sflag:s25] =	ssyncset.done $0x0  }
.Ltmp3:
0x82: {  	[sflag:s25] =	ssyncadd.s32 $0xFFFEC000;
	(pc) =	sbr.rel @p1 .LBB2_5-.Ltmp3, $4  }
0x83: {  	[spmem:s1] =	stream.indirect.scatter.add.f32 [tilespmem:s24], [sflag:$0x5], $0x80, s2, s20, $0xb8;
	[tilespmem:$0x1E680] =	vst v63  }
0x84: {  	_ =	swait.ge [sflag:s25], $0x14000  }
0x85: {  	[sflag:s25] =	ssyncset.done $0x0  }
0x86: {  	[sflag:s25] =	ssyncadd.s32 $0xFFFEC000  }
0x87: {  	_ =	swait.ge [sflag:s26], $0x280  }
0x88: {  	[sflag:s26] =	ssyncset.done $0x0  }
0x89: {  	[sflag:s26] =	ssyncadd.s32 $0xFFFFFD80  }
0x8a: {  	_ =	swait.ge [sflag:s28], $0x280  }
0x8b: {  	[sflag:s28] =	ssyncset.done $0x0  }
0x8c: {  	[sflag:s28] =	ssyncadd.s32 $0xFFFFFD80  }
0x8d: {  	[tilespmem:s24], [sflag:$0x5] =	stream.indirect.gather [hbm4b:s4+s20], $0x80, s21, s20, $0xb8;
	[tilespmem:$0x1E680] =	vst v63  }
0x8e: {  	_ =	swait.ge [sflag:s25], $0x14000  }
0x8f: {  	[sflag:s25] =	ssyncset.done $0x0  }
0x90: {  	[sflag:s25] =	ssyncadd.s32 $0xFFFEC000  }
0x91: {  	[spmem:s1] =	stream.indirect.scatter.add.f32 [tilespmem:s24], [sflag:$0x5], $0x80, s20, s20, $0xb8;
	[tilespmem:$0x1E680] =	vst v63  }
.Ltmp4:
0x92: {  	_ =	swait.ge [sflag:s25], $0x14000;
	(pc) =	sbr.rel .LBB2_6-.Ltmp4, $3  }
0x93: {  	[sflag:s25] =	ssyncset.done $0x0  }
0x94: {  	[sflag:s25] =	ssyncadd.s32 $0xFFFEC000  }
0x95: {  	[bflag:$0x0] =	sbarrier.arrive $0xFFFF;
	_ =	sdelay $0x1  }
.LBB2_5:
.Ltmp5:
0x96: {  	(pc) =	sbr.rel @p0 .LBB2_7-.Ltmp5, $2  }
0x97: {  	_ =	sdelay $0x1  }
0x98: {  	[bflag:$0x0] =	sbarrier.arrive $0xFFFF;
	_ =	sdelay $0x1  }
.LBB2_6:
0x99: {  	s0 =	sshll.u32 s3, $0x6;
	s8 =	sshrl.u32 s11, $0x3  }
.Ltmp6:
0x9a: {  	s9 =	rddreg [dreg:$0x6];
	s0 =	sor.u32 $0x1C05, s0;
	(pc) =	sbr.rel .LBB2_8-.Ltmp6, $4  }
0x9b: {  	[hbm:s9], [sflag:s0] =	dma.local [spmem:s8], $0x1400  }
0x9c: {  	_ =	swait.ge [sflag:s25], $0x1400  }
0x9d: {  	[sflag:s25] =	ssyncset.done $0x0  }
0x9e: {  	[sflag:s25] =	ssyncadd.s32 $0xFFFFEC00  }
.LBB2_9:
0x9f: {  	_ =	sfence.sel $0x180000  }
0xa0: {  	[bflag:$0x0] =	sbarrier.arrive $0xFFFF  }
0xa1: {  	_ =	strace $0x90000047  }
0xa2: {  	[bflag:$0x2] =	sbarrier.arrive $0xFFFF  }
0xa3: {  	p0 =	sne.s32 s3, $0x0;
	s0 =	rddreg [dreg:$0x2]  }
0xa4: {  	s0 =	sadd.s32 @!p0 $0x100000, s0  }
0xa5: {  	[sflag:s0] =	ssyncadd.tile.s32 @!p0 $0x1;
	_ =	shalt  }
.Lfunc_end2:
_tile_overlayer_lowered:
.L_overlay_start_2:
0xa6: {  	(tag) =	ssettag $0x2  }
0xa7: {  	s0 =	rddreg [dreg:$0x0];
	s2 =	stileid.u32  }
0xa8: {  	s1 =	rddreg [dreg:$0x1];
	p0 =	sne.s32 s2, $0x0  }
0xa9: {  	s3 =	rddreg [dreg:$0x2];
	[bflag:$0x3] =	sbarrier.arrive $0xFFFF;
	s2 =	simm.s32 @!p0 $0x1C05  }
0xaa: {  	[timem:s3], [sflag:s2] =	dma.local @!p0 [hbm:s0], s1  }
0xab: {  	s0 =	simm.s32 @!p0 $0x5  }
0xac: {  	_ =	swait.ge @!p0 [sflag:s0], s1  }
0xad: {  	s1 =	ssub.s32 @!p0 $0x0, s1;
	[sflag:s0] =	ssyncset.done @!p0 $0x0  }
0xae: {  	[sflag:s0] =	ssyncadd.s32 @!p0 s1  }
0xaf: {  	[bflag:$0x3] =	sbarrier.arrive $0xFFFF  }
0xb0: {  	_ =	shalt  }

</sc_bundles>
